<compile_context>
chip_gen: v7x
topology: tpu7x:2x2x1
jax: 0.10.2.dev20260603
libtpu: 0.0.44.dev20260713+nightly
codegen_flags: <defaults>
</compile_context>

<pallas_src>
import functools
import math

import jax
import jax.numpy as jnp
from jax.experimental import pallas as pl
from jax.experimental.pallas import tpu as pltpu


def _proj_ln_body(x_ref, w_ref, b_ref, g_ref, o_ref, q_ref, k_ref, *, ngroups, di):
    x = x_ref[0]
    y = jnp.dot(x, w_ref[...], preferred_element_type=jnp.float32) + b_ref[...]
    half = ngroups // 2
    for g in range(ngroups):
        seg = y[:, g * di:(g + 1) * di]
        m = jnp.mean(seg, axis=-1, keepdims=True)
        cen = seg - m
        var = jnp.mean(cen * cen, axis=-1, keepdims=True)
        norm = cen / jnp.sqrt(var + 1e-5)
        out = norm * g_ref[:, g * di:(g + 1) * di] + o_ref[:, g * di:(g + 1) * di]
        out = out.astype(jnp.bfloat16)
        if g < half:
            q_ref[0, g, :, :] = out
        else:
            k_ref[0, g - half, :, :] = out


def _proj_ln(x, wqk, bqk, gall, ball, *, hi, di, blk):
    b, s, d = x.shape
    w2 = hi * di
    grid = (b, s // blk)
    return pl.pallas_call(
        functools.partial(_proj_ln_body, ngroups=2 * hi, di=di),
        grid=grid,
        in_specs=[
            pl.BlockSpec((1, blk, d), lambda i, j: (i, j, 0)),
            pl.BlockSpec((d, 2 * w2), lambda i, j: (0, 0)),
            pl.BlockSpec((1, 2 * w2), lambda i, j: (0, 0)),
            pl.BlockSpec((1, 2 * w2), lambda i, j: (0, 0)),
            pl.BlockSpec((1, 2 * w2), lambda i, j: (0, 0)),
        ],
        out_specs=[
            pl.BlockSpec((1, hi, blk, di), lambda i, j: (i, 0, j, 0)),
            pl.BlockSpec((1, hi, blk, di), lambda i, j: (i, 0, j, 0)),
        ],
        out_shape=[
            jax.ShapeDtypeStruct((b, hi, s, di), jnp.bfloat16),
            jax.ShapeDtypeStruct((b, hi, s, di), jnp.bfloat16),
        ],
    )(x, wqk, bqk, gall, ball)


def _scores_body(idxw_ref, ki_ref, qi_ref, o_ref, t_ref, *, hi, topk):
    h = pl.program_id(2)
    d = jax.lax.dot_general(ki_ref[0, 0], qi_ref[0, 0],
                            (((1,), (1,)), ((), ())),
                            preferred_element_type=jnp.float32)
    r = (jnp.maximum(d, 0.0).astype(jnp.bfloat16).astype(jnp.float32)
         * idxw_ref[h])

    @pl.when(h == 0)
    def _():
        o_ref[0] = r

    @pl.when(h != 0)
    def _():
        o_ref[0] = o_ref[0] + r

    @pl.when(h == hi - 1)
    def _():
        bits = jax.lax.bitcast_convert_type(o_ref[0], jnp.int32)
        blk, s = bits.shape
        ones = jnp.ones((s, 8), jnp.bfloat16)
        lo = jnp.zeros((blk, 1), jnp.int32)
        hi_b = jnp.full((blk, 1), 0x7F7FFFFF, jnp.int32)
        kf = jnp.float32(topk)

        for _ in range(31):
            mid = lo + ((hi_b - lo + 1) >> 1)
            cmp = (bits >= mid).astype(jnp.bfloat16)
            cnt = jnp.dot(cmp, ones,
                          preferred_element_type=jnp.float32)[:, :1]
            take = cnt >= kf
            lo = jnp.where(take, mid, lo)
            hi_b = jnp.where(take, hi_b, mid - 1)
        t_ref[0] = jax.lax.bitcast_convert_type(lo, jnp.float32)


def _indexer_scores(qi, ki, idx_w, *, hi, di, blk, topk):
    b, _, s, _ = qi.shape
    grid = (b, s // blk, hi)
    return pl.pallas_call(
        functools.partial(_scores_body, hi=hi, topk=topk),
        grid=grid,
        in_specs=[
            pl.BlockSpec(memory_space=pltpu.SMEM),
            pl.BlockSpec((1, 1, blk, di), lambda i, j, h: (i, h, j, 0)),
            pl.BlockSpec((1, 1, s, di), lambda i, j, h: (i, h, 0, 0)),
        ],
        out_specs=[
            pl.BlockSpec((1, blk, s), lambda i, j, h: (i, j, 0)),
            pl.BlockSpec((1, blk, 1), lambda i, j, h: (i, j, 0)),
        ],
        out_shape=[
            jax.ShapeDtypeStruct((b, s, s), jnp.float32),
            jax.ShapeDtypeStruct((b, s, 1), jnp.float32),
        ],
    )(idx_w, ki, qi)


def _attn_body(q_ref, k_ref, v_ref, sc_ref, t_ref, o_ref, *, qb, h, scale, topk):
    kb = k_ref[0]
    vb = v_ref[0]
    att = jax.lax.dot_general(q_ref[0], kb, (((1,), (1,)), ((), ())),
                              preferred_element_type=jnp.float32) * scale
    att3 = att.reshape(qb, h, kb.shape[0])
    sc = sc_ref[0]
    t = t_ref[0]
    gt = sc > t
    eq = sc == t
    ngt = jnp.sum(gt.astype(jnp.float32), axis=1, keepdims=True)
    eqrank = eq.astype(jnp.float32)
    sh = 1
    while sh < eqrank.shape[1]:
        shifted = jnp.concatenate(
            [jnp.zeros((eqrank.shape[0], sh), jnp.float32),
             eqrank[:, :-sh]], axis=1)
        eqrank = eqrank + shifted
        sh *= 2
    mask = (gt | (eq & (eqrank <= jnp.float32(topk) - ngt)))[:, None, :]
    att3 = jnp.where(mask, att3, -1e30)
    p = jnp.exp(att3)
    den = jnp.sum(p, axis=-1, keepdims=True)
    pv = jax.lax.dot_general(p.reshape(qb * h, kb.shape[0]), vb,
                             (((1,), (0,)), ((), ())),
                             preferred_element_type=jnp.float32)
    o_ref[0] = pv / den.reshape(qb * h, 1)


def _masked_attn(qr, K, V, scores, thr, *, h, qb, topk):
    b, sh, dk = qr.shape
    s = K.shape[1]
    grid = (b, s // qb)
    return pl.pallas_call(
        functools.partial(_attn_body, qb=qb, h=h, scale=1.0 / math.sqrt(dk),
                          topk=topk),
        grid=grid,
        in_specs=[
            pl.BlockSpec((1, qb * h, dk), lambda i, j: (i, j, 0)),
            pl.BlockSpec((1, s, dk), lambda i, j: (i, 0, 0)),
            pl.BlockSpec((1, s, dk), lambda i, j: (i, 0, 0)),
            pl.BlockSpec((1, qb, s), lambda i, j: (i, j, 0)),
            pl.BlockSpec((1, qb, 1), lambda i, j: (i, j, 0)),
        ],
        out_specs=pl.BlockSpec((1, qb * h, dk), lambda i, j: (i, j, 0)),
        out_shape=jax.ShapeDtypeStruct((b, sh, dk), jnp.float32),
    )(qr, K, V, scores, thr)


def kernel(x, Q, K, V, Wq, bq, Wk, bk, ln_g, ln_b, idx_w):
    b, s, d = x.shape
    h = Q.shape[1]
    dk = Q.shape[-1]
    di = ln_g.shape[0]
    hi = Wq.shape[1] // di
    k = min(256, s)

    gtile = jnp.tile(ln_g, 2 * hi)
    btile = jnp.tile(ln_b, 2 * hi)
    wqk = jnp.concatenate([Wq, Wk], axis=1)
    bqk = jnp.concatenate([bq, bk])[None, :]
    qi, ki = _proj_ln(x, wqk, bqk, gtile[None, :], btile[None, :],
                      hi=hi, di=di, blk=256)

    iv = jax.lax.bitcast_convert_type(idx_w, jnp.uint32)
    rbias = ((iv >> 16) & 1) + jnp.uint32(0x7FFF)
    idx_wb = jax.lax.bitcast_convert_type(
        (iv + rbias) & jnp.uint32(0xFFFF0000), jnp.float32)

    scores, thr = _indexer_scores(qi, ki, idx_wb, hi=hi, di=di, blk=256,
                                  topk=k)

    qr = jnp.transpose(Q, (0, 2, 1, 3)).reshape(b, s * h, dk)
    out = _masked_attn(qr, K, V, scores, thr, h=h, qb=128, topk=k)
    return (out.reshape(b, s, h * dk), jnp.float32(0.0))

# --- scband reference (transcript-rebuilt; emitter-appended) ---
"""Pipeline reference for scband-dsa-32255204393145 (READ-ONLY COPY).

The authoritative reference and input builder live on the scoring server;
editing this copy changes nothing except your own understanding.
"""

import jax, jax.numpy as jnp
import numpy as np

B, S, D = 2, 2048, 2048
H, DK = 32, 64
HI, DI = 4, 64
TOPK = 256

def setup_inputs(seed: int = 0):
    key = jax.random.key(seed)
    ks = jax.random.split(key, 8)
    x = jax.random.normal(ks[0], (B, S, D), dtype=jnp.float32)
    Q = jax.random.normal(ks[1], (B, H, S, DK), dtype=jnp.float32)
    K = jax.random.normal(ks[2], (B, S, DK), dtype=jnp.float32)
    V = jax.random.normal(ks[3], (B, S, DK), dtype=jnp.float32)
    Wq = jax.random.normal(ks[4], (D, HI * DI), dtype=jnp.float32) / np.sqrt(D)
    bq = jnp.zeros((HI * DI,), dtype=jnp.float32)
    Wk = jax.random.normal(ks[5], (D, HI * DI), dtype=jnp.float32) / np.sqrt(D)
    bk = jnp.zeros((HI * DI,), dtype=jnp.float32)
    ln_g = jnp.ones((DI,), dtype=jnp.float32)
    ln_b = jnp.zeros((DI,), dtype=jnp.float32)
    idx_w = jnp.full((HI,), 0.1, dtype=jnp.float32)
    return {"x": x, "Q": Q, "K": K, "V": V, "Wq": Wq, "bq": bq, "Wk": Wk, "bk": bk, "ln_g": ln_g, "ln_b": ln_b, "idx_w": idx_w}

def _layernorm(v, g, b):
    m = jnp.mean(v, axis=-1, keepdims=True)
    var = jnp.var(v, axis=-1, keepdims=True)
    return (v - m) / jnp.sqrt(var + 1e-5) * g + b

def reference(x, Q, K, V, Wq, bq, Wk, bk, ln_g, ln_b, idx_w):
    b, s, _ = x.shape
    h = Q.shape[1]
    dk = Q.shape[-1]
    qi = (x @ Wq + bq).reshape(b, s, HI, DI)
    ki = (x @ Wk + bk).reshape(b, s, HI, DI)
    qi = _layernorm(qi, ln_g, ln_b)
    ki = _layernorm(ki, ln_g, ln_b)
    head_scores = jnp.einsum('bshd,bthd->bhst', ki, qi)
    head_scores = jnp.maximum(head_scores, 0.0)
    index_scores = jnp.einsum('bhst,h->bst', head_scores, idx_w)
    k = min(TOPK, s)
    top_k_values, top_k_indices = jax.lax.top_k(index_scores, k)
    bidx = jnp.arange(b)[:, None, None]
    K_topk = K[bidx, top_k_indices]
    V_topk = V[bidx, top_k_indices]
    Qr = jnp.transpose(Q, (0, 2, 1, 3))
    attn_scores = jnp.matmul(Qr, jnp.swapaxes(K_topk, 2, 3)) / jnp.sqrt(jnp.float32(dk))
    attn_weights = jax.nn.softmax(attn_scores, axis=-1)
    # dropout is identity in eval mode
    attn_output = jnp.matmul(attn_weights, V_topk).reshape(b, s, h * dk)
    kl_loss = jnp.float32(0.0)
    return (attn_output, kl_loss)

if __name__ == "__main__":
    import jax
    _d = setup_inputs()
    print(jax.jit(kernel)(*tuple(_d.values())))

</pallas_src>

<mosaic_0001>
module attributes {stable_mosaic.version = 14 : i64} {
  func.func @_proj_ln_body(%arg0: i32, %arg1: i32, %arg2: memref<1x256x2048xf32, #tpu.memory_space<vmem>>, %arg3: memref<2048x512xf32, #tpu.memory_space<vmem>>, %arg4: memref<1x512xf32, #tpu.memory_space<vmem>>, %arg5: memref<1x512xf32, #tpu.memory_space<vmem>>, %arg6: memref<1x512xf32, #tpu.memory_space<vmem>>, %arg7: memref<1x4x256x64xbf16, #tpu.memory_space<vmem>>, %arg8: memref<1x4x256x64xbf16, #tpu.memory_space<vmem>>) attributes {dimension_semantics = [#tpu.dimension_semantics<arbitrary>, #tpu.dimension_semantics<arbitrary>], iteration_bounds = array<i64: 2, 8>, scalar_prefetch = 0 : i64, scratch_operands = 0 : i64, tpu.core_type = #tpu.core_type<tc>, window_params = [{transform_indices = @transform_0, window_bounds = array<i64: 1, 256, 2048>}, {pipeline_mode = #tpu.pipeline_mode<synchronous>, transform_indices = @transform_1, window_bounds = array<i64: 2048, 512>}, {pipeline_mode = #tpu.pipeline_mode<synchronous>, transform_indices = @transform_2, window_bounds = array<i64: 1, 512>}, {pipeline_mode = #tpu.pipeline_mode<synchronous>, transform_indices = @transform_3, window_bounds = array<i64: 1, 512>}, {pipeline_mode = #tpu.pipeline_mode<synchronous>, transform_indices = @transform_4, window_bounds = array<i64: 1, 512>}, {transform_indices = @transform_5, window_bounds = array<i64: 1, 4, 256, 64>}, {transform_indices = @transform_6, window_bounds = array<i64: 1, 4, 256, 64>}]} {
    %get3A = arith.constant 0 : index
    %get3A_0 = arith.constant 0 : index
    %get3A_1 = arith.constant 0 : index
    %get3A_2 = vector.load %arg2[%get3A, %get3A_0, %get3A_1] : memref<1x256x2048xf32, #tpu.memory_space<vmem>>, vector<1x256x2048xf32>
    %get3A_3 = vector.shape_cast %get3A_2 : vector<1x256x2048xf32> to vector<256x2048xf32>
    %get3A_4 = arith.constant 0 : index
    %get3A_5 = arith.constant 0 : index
    %get3A_6 = vector.load %arg3[%get3A_4, %get3A_5] : memref<2048x512xf32, #tpu.memory_space<vmem>>, vector<2048x512xf32>
    %dot_general3A = arith.constant dense<0.000000e+00> : vector<256x512xf32>
    %dot_general3A_7 = tpu.matmul %get3A_3, %get3A_6, %dot_general3A {dimension_numbers = #tpu.dot_dimension_numbers<[1], [0], [0], [1], [0, 0, 1, 1], [], []>, transpose_lhs_hint = false} : vector<256x2048xf32>, vector<2048x512xf32>, vector<256x512xf32> -> vector<256x512xf32>
    %get3A_8 = arith.constant 0 : index
    %get3A_9 = arith.constant 0 : index
    %get3A_10 = vector.load %arg4[%get3A_8, %get3A_9] : memref<1x512xf32, #tpu.memory_space<vmem>>, vector<1x512xf32>
    %add3A = vector.broadcast %get3A_10 : vector<1x512xf32> to vector<256x512xf32>
    %add3A_11 = arith.addf %dot_general3A_7, %add3A : vector<256x512xf32>
    %slice3A = vector.extract_strided_slice %add3A_11 {offsets = [0, 0], sizes = [256, 64], strides = [1, 1]} : vector<256x512xf32> to vector<256x64xf32>
    %reduce_sum3A = arith.constant dense<0.000000e+00> : vector<256xf32>
    %reduce_sum3A_12 = vector.multi_reduction <add>, %slice3A, %reduce_sum3A [1] : vector<256x64xf32> to vector<256xf32>
    %broadcast_in_dim3A = vector.shape_cast %reduce_sum3A_12 : vector<256xf32> to vector<256x1xf32>
    %div3A = arith.constant 6.400000e+01 : f32
    %div3A_13 = vector.broadcast %div3A : f32 to vector<256x1xf32>
    %div3A_14 = arith.divf %broadcast_in_dim3A, %div3A_13 : vector<256x1xf32>
    %sub3A = vector.broadcast %div3A_14 : vector<256x1xf32> to vector<256x64xf32>
    %sub3A_15 = arith.subf %slice3A, %sub3A : vector<256x64xf32>
    %mul3A = arith.mulf %sub3A_15, %sub3A_15 : vector<256x64xf32>
    %reduce_sum3A_16 = arith.constant dense<0.000000e+00> : vector<256xf32>
    %reduce_sum3A_17 = vector.multi_reduction <add>, %mul3A, %reduce_sum3A_16 [1] : vector<256x64xf32> to vector<256xf32>
    %broadcast_in_dim3A_18 = vector.shape_cast %reduce_sum3A_17 : vector<256xf32> to vector<256x1xf32>
    %div3A_19 = arith.constant 6.400000e+01 : f32
    %div3A_20 = vector.broadcast %div3A_19 : f32 to vector<256x1xf32>
    %div3A_21 = arith.divf %broadcast_in_dim3A_18, %div3A_20 : vector<256x1xf32>
    %add3A_22 = arith.constant 9.99999974E-6 : f32
    %add3A_23 = vector.broadcast %add3A_22 : f32 to vector<256x1xf32>
    %add3A_24 = arith.addf %div3A_21, %add3A_23 : vector<256x1xf32>
    %sqrt3A = math.sqrt %add3A_24 : vector<256x1xf32>
    %div3A_25 = vector.broadcast %sqrt3A : vector<256x1xf32> to vector<256x64xf32>
    %div3A_26 = arith.divf %sub3A_15, %div3A_25 : vector<256x64xf32>
    %get3A_27 = arith.constant 0 : index
    %get3A_28 = arith.constant 0 : index
    %get3A_29 = vector.load %arg5[%get3A_27, %get3A_28] : memref<1x512xf32, #tpu.memory_space<vmem>>, vector<1x64xf32>
    %mul3A_30 = vector.broadcast %get3A_29 : vector<1x64xf32> to vector<256x64xf32>
    %mul3A_31 = arith.mulf %div3A_26, %mul3A_30 : vector<256x64xf32>
    %get3A_32 = arith.constant 0 : index
    %get3A_33 = arith.constant 0 : index
    %get3A_34 = vector.load %arg6[%get3A_32, %get3A_33] : memref<1x512xf32, #tpu.memory_space<vmem>>, vector<1x64xf32>
    %add3A_35 = vector.broadcast %get3A_34 : vector<1x64xf32> to vector<256x64xf32>
    %add3A_36 = arith.addf %mul3A_31, %add3A_35 : vector<256x64xf32>
    %convert_element_type3A = arith.truncf %add3A_36 : vector<256x64xf32> to vector<256x64xbf16>
    %swap3A = arith.constant 0 : index
    %swap3A_37 = arith.constant 0 : index
    %swap3A_38 = arith.constant 0 : index
    %swap3A_39 = arith.constant 0 : index
    %swap3A_40 = vector.load %arg7[%swap3A, %swap3A_37, %swap3A_38, %swap3A_39] : memref<1x4x256x64xbf16, #tpu.memory_space<vmem>>, vector<1x1x256x64xbf16>
    %swap3A_41 = vector.shape_cast %swap3A_40 : vector<1x1x256x64xbf16> to vector<256x64xbf16>
    %swap3A_42 = vector.shape_cast %convert_element_type3A : vector<256x64xbf16> to vector<1x1x256x64xbf16>
    tpu.vector_store %arg7[%swap3A, %swap3A_37, %swap3A_38, %swap3A_39], %swap3A_42 {strides = array<i32>} : memref<1x4x256x64xbf16, #tpu.memory_space<vmem>>, vector<1x1x256x64xbf16>,
    %slice3A_43 = vector.extract_strided_slice %add3A_11 {offsets = [0, 64], sizes = [256, 64], strides = [1, 1]} : vector<256x512xf32> to vector<256x64xf32>
    %reduce_sum3A_44 = arith.constant dense<0.000000e+00> : vector<256xf32>
    %reduce_sum3A_45 = vector.multi_reduction <add>, %slice3A_43, %reduce_sum3A_44 [1] : vector<256x64xf32> to vector<256xf32>
    %broadcast_in_dim3A_46 = vector.shape_cast %reduce_sum3A_45 : vector<256xf32> to vector<256x1xf32>
    %div3A_47 = arith.constant 6.400000e+01 : f32
    %div3A_48 = vector.broadcast %div3A_47 : f32 to vector<256x1xf32>
    %div3A_49 = arith.divf %broadcast_in_dim3A_46, %div3A_48 : vector<256x1xf32>
    %sub3A_50 = vector.broadcast %div3A_49 : vector<256x1xf32> to vector<256x64xf32>
    %sub3A_51 = arith.subf %slice3A_43, %sub3A_50 : vector<256x64xf32>
    %mul3A_52 = arith.mulf %sub3A_51, %sub3A_51 : vector<256x64xf32>
    %reduce_sum3A_53 = arith.constant dense<0.000000e+00> : vector<256xf32>
    %reduce_sum3A_54 = vector.multi_reduction <add>, %mul3A_52, %reduce_sum3A_53 [1] : vector<256x64xf32> to vector<256xf32>
    %broadcast_in_dim3A_55 = vector.shape_cast %reduce_sum3A_54 : vector<256xf32> to vector<256x1xf32>
    %div3A_56 = arith.constant 6.400000e+01 : f32
    %div3A_57 = vector.broadcast %div3A_56 : f32 to vector<256x1xf32>
    %div3A_58 = arith.divf %broadcast_in_dim3A_55, %div3A_57 : vector<256x1xf32>
    %add3A_59 = arith.constant 9.99999974E-6 : f32
    %add3A_60 = vector.broadcast %add3A_59 : f32 to vector<256x1xf32>
    %add3A_61 = arith.addf %div3A_58, %add3A_60 : vector<256x1xf32>
    %sqrt3A_62 = math.sqrt %add3A_61 : vector<256x1xf32>
    %div3A_63 = vector.broadcast %sqrt3A_62 : vector<256x1xf32> to vector<256x64xf32>
    %div3A_64 = arith.divf %sub3A_51, %div3A_63 : vector<256x64xf32>
    %get3A_65 = arith.constant 0 : index
    %get3A_66 = arith.constant 64 : index
    %get3A_67 = vector.load %arg5[%get3A_65, %get3A_66] : memref<1x512xf32, #tpu.memory_space<vmem>>, vector<1x64xf32>
    %mul3A_68 = vector.broadcast %get3A_67 : vector<1x64xf32> to vector<256x64xf32>
    %mul3A_69 = arith.mulf %div3A_64, %mul3A_68 : vector<256x64xf32>
    %get3A_70 = arith.constant 0 : index
    %get3A_71 = arith.constant 64 : index
    %get3A_72 = vector.load %arg6[%get3A_70, %get3A_71] : memref<1x512xf32, #tpu.memory_space<vmem>>, vector<1x64xf32>
    %add3A_73 = vector.broadcast %get3A_72 : vector<1x64xf32> to vector<256x64xf32>
    %add3A_74 = arith.addf %mul3A_69, %add3A_73 : vector<256x64xf32>
    %convert_element_type3A_75 = arith.truncf %add3A_74 : vector<256x64xf32> to vector<256x64xbf16>
    %swap3A_76 = arith.constant 0 : index
    %swap3A_77 = arith.constant 1 : index
    %swap3A_78 = arith.constant 0 : index
    %swap3A_79 = arith.constant 0 : index
    %swap3A_80 = vector.load %arg7[%swap3A_76, %swap3A_77, %swap3A_78, %swap3A_79] : memref<1x4x256x64xbf16, #tpu.memory_space<vmem>>, vector<1x1x256x64xbf16>
    %swap3A_81 = vector.shape_cast %swap3A_80 : vector<1x1x256x64xbf16> to vector<256x64xbf16>
    %swap3A_82 = vector.shape_cast %convert_element_type3A_75 : vector<256x64xbf16> to vector<1x1x256x64xbf16>
    tpu.vector_store %arg7[%swap3A_76, %swap3A_77, %swap3A_78, %swap3A_79], %swap3A_82 {strides = array<i32>} : memref<1x4x256x64xbf16, #tpu.memory_space<vmem>>, vector<1x1x256x64xbf16>,
    %slice3A_83 = vector.extract_strided_slice %add3A_11 {offsets = [0, 128], sizes = [256, 64], strides = [1, 1]} : vector<256x512xf32> to vector<256x64xf32>
    %reduce_sum3A_84 = arith.constant dense<0.000000e+00> : vector<256xf32>
    %reduce_sum3A_85 = vector.multi_reduction <add>, %slice3A_83, %reduce_sum3A_84 [1] : vector<256x64xf32> to vector<256xf32>
    %broadcast_in_dim3A_86 = vector.shape_cast %reduce_sum3A_85 : vector<256xf32> to vector<256x1xf32>
    %div3A_87 = arith.constant 6.400000e+01 : f32
    %div3A_88 = vector.broadcast %div3A_87 : f32 to vector<256x1xf32>
    %div3A_89 = arith.divf %broadcast_in_dim3A_86, %div3A_88 : vector<256x1xf32>
    %sub3A_90 = vector.broadcast %div3A_89 : vector<256x1xf32> to vector<256x64xf32>
    %sub3A_91 = arith.subf %slice3A_83, %sub3A_90 : vector<256x64xf32>
    %mul3A_92 = arith.mulf %sub3A_91, %sub3A_91 : vector<256x64xf32>
    %reduce_sum3A_93 = arith.constant dense<0.000000e+00> : vector<256xf32>
    %reduce_sum3A_94 = vector.multi_reduction <add>, %mul3A_92, %reduce_sum3A_93 [1] : vector<256x64xf32> to vector<256xf32>
    %broadcast_in_dim3A_95 = vector.shape_cast %reduce_sum3A_94 : vector<256xf32> to vector<256x1xf32>
    %div3A_96 = arith.constant 6.400000e+01 : f32
    %div3A_97 = vector.broadcast %div3A_96 : f32 to vector<256x1xf32>
    %div3A_98 = arith.divf %broadcast_in_dim3A_95, %div3A_97 : vector<256x1xf32>
    %add3A_99 = arith.constant 9.99999974E-6 : f32
    %add3A_100 = vector.broadcast %add3A_99 : f32 to vector<256x1xf32>
    %add3A_101 = arith.addf %div3A_98, %add3A_100 : vector<256x1xf32>
    %sqrt3A_102 = math.sqrt %add3A_101 : vector<256x1xf32>
    %div3A_103 = vector.broadcast %sqrt3A_102 : vector<256x1xf32> to vector<256x64xf32>
    %div3A_104 = arith.divf %sub3A_91, %div3A_103 : vector<256x64xf32>
    %get3A_105 = arith.constant 0 : index
    %get3A_106 = arith.constant 128 : index
    %get3A_107 = vector.load %arg5[%get3A_105, %get3A_106] : memref<1x512xf32, #tpu.memory_space<vmem>>, vector<1x64xf32>
    %mul3A_108 = vector.broadcast %get3A_107 : vector<1x64xf32> to vector<256x64xf32>
    %mul3A_109 = arith.mulf %div3A_104, %mul3A_108 : vector<256x64xf32>
    %get3A_110 = arith.constant 0 : index
    %get3A_111 = arith.constant 128 : index
    %get3A_112 = vector.load %arg6[%get3A_110, %get3A_111] : memref<1x512xf32, #tpu.memory_space<vmem>>, vector<1x64xf32>
    %add3A_113 = vector.broadcast %get3A_112 : vector<1x64xf32> to vector<256x64xf32>
    %add3A_114 = arith.addf %mul3A_109, %add3A_113 : vector<256x64xf32>
    %convert_element_type3A_115 = arith.truncf %add3A_114 : vector<256x64xf32> to vector<256x64xbf16>
    %swap3A_116 = arith.constant 0 : index
    %swap3A_117 = arith.constant 2 : index
    %swap3A_118 = arith.constant 0 : index
    %swap3A_119 = arith.constant 0 : index
    %swap3A_120 = vector.load %arg7[%swap3A_116, %swap3A_117, %swap3A_118, %swap3A_119] : memref<1x4x256x64xbf16, #tpu.memory_space<vmem>>, vector<1x1x256x64xbf16>
    %swap3A_121 = vector.shape_cast %swap3A_120 : vector<1x1x256x64xbf16> to vector<256x64xbf16>
    %swap3A_122 = vector.shape_cast %convert_element_type3A_115 : vector<256x64xbf16> to vector<1x1x256x64xbf16>
    tpu.vector_store %arg7[%swap3A_116, %swap3A_117, %swap3A_118, %swap3A_119], %swap3A_122 {strides = array<i32>} : memref<1x4x256x64xbf16, #tpu.memory_space<vmem>>, vector<1x1x256x64xbf16>,
    %slice3A_123 = vector.extract_strided_slice %add3A_11 {offsets = [0, 192], sizes = [256, 64], strides = [1, 1]} : vector<256x512xf32> to vector<256x64xf32>
    %reduce_sum3A_124 = arith.constant dense<0.000000e+00> : vector<256xf32>
    %reduce_sum3A_125 = vector.multi_reduction <add>, %slice3A_123, %reduce_sum3A_124 [1] : vector<256x64xf32> to vector<256xf32>
    %broadcast_in_dim3A_126 = vector.shape_cast %reduce_sum3A_125 : vector<256xf32> to vector<256x1xf32>
    %div3A_127 = arith.constant 6.400000e+01 : f32
    %div3A_128 = vector.broadcast %div3A_127 : f32 to vector<256x1xf32>
    %div3A_129 = arith.divf %broadcast_in_dim3A_126, %div3A_128 : vector<256x1xf32>
    %sub3A_130 = vector.broadcast %div3A_129 : vector<256x1xf32> to vector<256x64xf32>
    %sub3A_131 = arith.subf %slice3A_123, %sub3A_130 : vector<256x64xf32>
    %mul3A_132 = arith.mulf %sub3A_131, %sub3A_131 : vector<256x64xf32>
    %reduce_sum3A_133 = arith.constant dense<0.000000e+00> : vector<256xf32>
    %reduce_sum3A_134 = vector.multi_reduction <add>, %mul3A_132, %reduce_sum3A_133 [1] : vector<256x64xf32> to vector<256xf32>
    %broadcast_in_dim3A_135 = vector.shape_cast %reduce_sum3A_134 : vector<256xf32> to vector<256x1xf32>
    %div3A_136 = arith.constant 6.400000e+01 : f32
    %div3A_137 = vector.broadcast %div3A_136 : f32 to vector<256x1xf32>
    %div3A_138 = arith.divf %broadcast_in_dim3A_135, %div3A_137 : vector<256x1xf32>
    %add3A_139 = arith.constant 9.99999974E-6 : f32
    %add3A_140 = vector.broadcast %add3A_139 : f32 to vector<256x1xf32>
    %add3A_141 = arith.addf %div3A_138, %add3A_140 : vector<256x1xf32>
    %sqrt3A_142 = math.sqrt %add3A_141 : vector<256x1xf32>
    %div3A_143 = vector.broadcast %sqrt3A_142 : vector<256x1xf32> to vector<256x64xf32>
    %div3A_144 = arith.divf %sub3A_131, %div3A_143 : vector<256x64xf32>
    %get3A_145 = arith.constant 0 : index
    %get3A_146 = arith.constant 192 : index
    %get3A_147 = vector.load %arg5[%get3A_145, %get3A_146] : memref<1x512xf32, #tpu.memory_space<vmem>>, vector<1x64xf32>
    %mul3A_148 = vector.broadcast %get3A_147 : vector<1x64xf32> to vector<256x64xf32>
    %mul3A_149 = arith.mulf %div3A_144, %mul3A_148 : vector<256x64xf32>
    %get3A_150 = arith.constant 0 : index
    %get3A_151 = arith.constant 192 : index
    %get3A_152 = vector.load %arg6[%get3A_150, %get3A_151] : memref<1x512xf32, #tpu.memory_space<vmem>>, vector<1x64xf32>
    %add3A_153 = vector.broadcast %get3A_152 : vector<1x64xf32> to vector<256x64xf32>
    %add3A_154 = arith.addf %mul3A_149, %add3A_153 : vector<256x64xf32>
    %convert_element_type3A_155 = arith.truncf %add3A_154 : vector<256x64xf32> to vector<256x64xbf16>
    %swap3A_156 = arith.constant 0 : index
    %swap3A_157 = arith.constant 3 : index
    %swap3A_158 = arith.constant 0 : index
    %swap3A_159 = arith.constant 0 : index
    %swap3A_160 = vector.load %arg7[%swap3A_156, %swap3A_157, %swap3A_158, %swap3A_159] : memref<1x4x256x64xbf16, #tpu.memory_space<vmem>>, vector<1x1x256x64xbf16>
    %swap3A_161 = vector.shape_cast %swap3A_160 : vector<1x1x256x64xbf16> to vector<256x64xbf16>
    %swap3A_162 = vector.shape_cast %convert_element_type3A_155 : vector<256x64xbf16> to vector<1x1x256x64xbf16>
    tpu.vector_store %arg7[%swap3A_156, %swap3A_157, %swap3A_158, %swap3A_159], %swap3A_162 {strides = array<i32>} : memref<1x4x256x64xbf16, #tpu.memory_space<vmem>>, vector<1x1x256x64xbf16>,
    %slice3A_163 = vector.extract_strided_slice %add3A_11 {offsets = [0, 256], sizes = [256, 64], strides = [1, 1]} : vector<256x512xf32> to vector<256x64xf32>
    %reduce_sum3A_164 = arith.constant dense<0.000000e+00> : vector<256xf32>
    %reduce_sum3A_165 = vector.multi_reduction <add>, %slice3A_163, %reduce_sum3A_164 [1] : vector<256x64xf32> to vector<256xf32>
    %broadcast_in_dim3A_166 = vector.shape_cast %reduce_sum3A_165 : vector<256xf32> to vector<256x1xf32>
    %div3A_167 = arith.constant 6.400000e+01 : f32
    %div3A_168 = vector.broadcast %div3A_167 : f32 to vector<256x1xf32>
    %div3A_169 = arith.divf %broadcast_in_dim3A_166, %div3A_168 : vector<256x1xf32>
    %sub3A_170 = vector.broadcast %div3A_169 : vector<256x1xf32> to vector<256x64xf32>
    %sub3A_171 = arith.subf %slice3A_163, %sub3A_170 : vector<256x64xf32>
    %mul3A_172 = arith.mulf %sub3A_171, %sub3A_171 : vector<256x64xf32>
    %reduce_sum3A_173 = arith.constant dense<0.000000e+00> : vector<256xf32>
    %reduce_sum3A_174 = vector.multi_reduction <add>, %mul3A_172, %reduce_sum3A_173 [1] : vector<256x64xf32> to vector<256xf32>
    %broadcast_in_dim3A_175 = vector.shape_cast %reduce_sum3A_174 : vector<256xf32> to vector<256x1xf32>
    %div3A_176 = arith.constant 6.400000e+01 : f32
    %div3A_177 = vector.broadcast %div3A_176 : f32 to vector<256x1xf32>
    %div3A_178 = arith.divf %broadcast_in_dim3A_175, %div3A_177 : vector<256x1xf32>
    %add3A_179 = arith.constant 9.99999974E-6 : f32
    %add3A_180 = vector.broadcast %add3A_179 : f32 to vector<256x1xf32>
    %add3A_181 = arith.addf %div3A_178, %add3A_180 : vector<256x1xf32>
    %sqrt3A_182 = math.sqrt %add3A_181 : vector<256x1xf32>
    %div3A_183 = vector.broadcast %sqrt3A_182 : vector<256x1xf32> to vector<256x64xf32>
    %div3A_184 = arith.divf %sub3A_171, %div3A_183 : vector<256x64xf32>
    %get3A_185 = arith.constant 0 : index
    %get3A_186 = arith.constant 256 : index
    %get3A_187 = vector.load %arg5[%get3A_185, %get3A_186] : memref<1x512xf32, #tpu.memory_space<vmem>>, vector<1x64xf32>
    %mul3A_188 = vector.broadcast %get3A_187 : vector<1x64xf32> to vector<256x64xf32>
    %mul3A_189 = arith.mulf %div3A_184, %mul3A_188 : vector<256x64xf32>
    %get3A_190 = arith.constant 0 : index
    %get3A_191 = arith.constant 256 : index
    %get3A_192 = vector.load %arg6[%get3A_190, %get3A_191] : memref<1x512xf32, #tpu.memory_space<vmem>>, vector<1x64xf32>
    %add3A_193 = vector.broadcast %get3A_192 : vector<1x64xf32> to vector<256x64xf32>
    %add3A_194 = arith.addf %mul3A_189, %add3A_193 : vector<256x64xf32>
    %convert_element_type3A_195 = arith.truncf %add3A_194 : vector<256x64xf32> to vector<256x64xbf16>
    %swap3A_196 = arith.constant 0 : index
    %swap3A_197 = arith.constant 0 : index
    %swap3A_198 = arith.constant 0 : index
    %swap3A_199 = arith.constant 0 : index
    %swap3A_200 = vector.load %arg8[%swap3A_196, %swap3A_197, %swap3A_198, %swap3A_199] : memref<1x4x256x64xbf16, #tpu.memory_space<vmem>>, vector<1x1x256x64xbf16>
    %swap3A_201 = vector.shape_cast %swap3A_200 : vector<1x1x256x64xbf16> to vector<256x64xbf16>
    %swap3A_202 = vector.shape_cast %convert_element_type3A_195 : vector<256x64xbf16> to vector<1x1x256x64xbf16>
    tpu.vector_store %arg8[%swap3A_196, %swap3A_197, %swap3A_198, %swap3A_199], %swap3A_202 {strides = array<i32>} : memref<1x4x256x64xbf16, #tpu.memory_space<vmem>>, vector<1x1x256x64xbf16>,
    %slice3A_203 = vector.extract_strided_slice %add3A_11 {offsets = [0, 320], sizes = [256, 64], strides = [1, 1]} : vector<256x512xf32> to vector<256x64xf32>
    %reduce_sum3A_204 = arith.constant dense<0.000000e+00> : vector<256xf32>
    %reduce_sum3A_205 = vector.multi_reduction <add>, %slice3A_203, %reduce_sum3A_204 [1] : vector<256x64xf32> to vector<256xf32>
    %broadcast_in_dim3A_206 = vector.shape_cast %reduce_sum3A_205 : vector<256xf32> to vector<256x1xf32>
    %div3A_207 = arith.constant 6.400000e+01 : f32
    %div3A_208 = vector.broadcast %div3A_207 : f32 to vector<256x1xf32>
    %div3A_209 = arith.divf %broadcast_in_dim3A_206, %div3A_208 : vector<256x1xf32>
    %sub3A_210 = vector.broadcast %div3A_209 : vector<256x1xf32> to vector<256x64xf32>
    %sub3A_211 = arith.subf %slice3A_203, %sub3A_210 : vector<256x64xf32>
    %mul3A_212 = arith.mulf %sub3A_211, %sub3A_211 : vector<256x64xf32>
    %reduce_sum3A_213 = arith.constant dense<0.000000e+00> : vector<256xf32>
    %reduce_sum3A_214 = vector.multi_reduction <add>, %mul3A_212, %reduce_sum3A_213 [1] : vector<256x64xf32> to vector<256xf32>
    %broadcast_in_dim3A_215 = vector.shape_cast %reduce_sum3A_214 : vector<256xf32> to vector<256x1xf32>
    %div3A_216 = arith.constant 6.400000e+01 : f32
    %div3A_217 = vector.broadcast %div3A_216 : f32 to vector<256x1xf32>
    %div3A_218 = arith.divf %broadcast_in_dim3A_215, %div3A_217 : vector<256x1xf32>
    %add3A_219 = arith.constant 9.99999974E-6 : f32
    %add3A_220 = vector.broadcast %add3A_219 : f32 to vector<256x1xf32>
    %add3A_221 = arith.addf %div3A_218, %add3A_220 : vector<256x1xf32>
    %sqrt3A_222 = math.sqrt %add3A_221 : vector<256x1xf32>
    %div3A_223 = vector.broadcast %sqrt3A_222 : vector<256x1xf32> to vector<256x64xf32>
    %div3A_224 = arith.divf %sub3A_211, %div3A_223 : vector<256x64xf32>
    %get3A_225 = arith.constant 0 : index
    %get3A_226 = arith.constant 320 : index
    %get3A_227 = vector.load %arg5[%get3A_225, %get3A_226] : memref<1x512xf32, #tpu.memory_space<vmem>>, vector<1x64xf32>
    %mul3A_228 = vector.broadcast %get3A_227 : vector<1x64xf32> to vector<256x64xf32>
    %mul3A_229 = arith.mulf %div3A_224, %mul3A_228 : vector<256x64xf32>
    %get3A_230 = arith.constant 0 : index
    %get3A_231 = arith.constant 320 : index
    %get3A_232 = vector.load %arg6[%get3A_230, %get3A_231] : memref<1x512xf32, #tpu.memory_space<vmem>>, vector<1x64xf32>
    %add3A_233 = vector.broadcast %get3A_232 : vector<1x64xf32> to vector<256x64xf32>
    %add3A_234 = arith.addf %mul3A_229, %add3A_233 : vector<256x64xf32>
    %convert_element_type3A_235 = arith.truncf %add3A_234 : vector<256x64xf32> to vector<256x64xbf16>
    %swap3A_236 = arith.constant 0 : index
    %swap3A_237 = arith.constant 1 : index
    %swap3A_238 = arith.constant 0 : index
    %swap3A_239 = arith.constant 0 : index
    %swap3A_240 = vector.load %arg8[%swap3A_236, %swap3A_237, %swap3A_238, %swap3A_239] : memref<1x4x256x64xbf16, #tpu.memory_space<vmem>>, vector<1x1x256x64xbf16>
    %swap3A_241 = vector.shape_cast %swap3A_240 : vector<1x1x256x64xbf16> to vector<256x64xbf16>
    %swap3A_242 = vector.shape_cast %convert_element_type3A_235 : vector<256x64xbf16> to vector<1x1x256x64xbf16>
    tpu.vector_store %arg8[%swap3A_236, %swap3A_237, %swap3A_238, %swap3A_239], %swap3A_242 {strides = array<i32>} : memref<1x4x256x64xbf16, #tpu.memory_space<vmem>>, vector<1x1x256x64xbf16>,
    %slice3A_243 = vector.extract_strided_slice %add3A_11 {offsets = [0, 384], sizes = [256, 64], strides = [1, 1]} : vector<256x512xf32> to vector<256x64xf32>
    %reduce_sum3A_244 = arith.constant dense<0.000000e+00> : vector<256xf32>
    %reduce_sum3A_245 = vector.multi_reduction <add>, %slice3A_243, %reduce_sum3A_244 [1] : vector<256x64xf32> to vector<256xf32>
    %broadcast_in_dim3A_246 = vector.shape_cast %reduce_sum3A_245 : vector<256xf32> to vector<256x1xf32>
    %div3A_247 = arith.constant 6.400000e+01 : f32
    %div3A_248 = vector.broadcast %div3A_247 : f32 to vector<256x1xf32>
    %div3A_249 = arith.divf %broadcast_in_dim3A_246, %div3A_248 : vector<256x1xf32>
    %sub3A_250 = vector.broadcast %div3A_249 : vector<256x1xf32> to vector<256x64xf32>
    %sub3A_251 = arith.subf %slice3A_243, %sub3A_250 : vector<256x64xf32>
    %mul3A_252 = arith.mulf %sub3A_251, %sub3A_251 : vector<256x64xf32>
    %reduce_sum3A_253 = arith.constant dense<0.000000e+00> : vector<256xf32>
    %reduce_sum3A_254 = vector.multi_reduction <add>, %mul3A_252, %reduce_sum3A_253 [1] : vector<256x64xf32> to vector<256xf32>
    %broadcast_in_dim3A_255 = vector.shape_cast %reduce_sum3A_254 : vector<256xf32> to vector<256x1xf32>
    %div3A_256 = arith.constant 6.400000e+01 : f32
    %div3A_257 = vector.broadcast %div3A_256 : f32 to vector<256x1xf32>
    %div3A_258 = arith.divf %broadcast_in_dim3A_255, %div3A_257 : vector<256x1xf32>
    %add3A_259 = arith.constant 9.99999974E-6 : f32
    %add3A_260 = vector.broadcast %add3A_259 : f32 to vector<256x1xf32>
    %add3A_261 = arith.addf %div3A_258, %add3A_260 : vector<256x1xf32>
    %sqrt3A_262 = math.sqrt %add3A_261 : vector<256x1xf32>
    %div3A_263 = vector.broadcast %sqrt3A_262 : vector<256x1xf32> to vector<256x64xf32>
    %div3A_264 = arith.divf %sub3A_251, %div3A_263 : vector<256x64xf32>
    %get3A_265 = arith.constant 0 : index
    %get3A_266 = arith.constant 384 : index
    %get3A_267 = vector.load %arg5[%get3A_265, %get3A_266] : memref<1x512xf32, #tpu.memory_space<vmem>>, vector<1x64xf32>
    %mul3A_268 = vector.broadcast %get3A_267 : vector<1x64xf32> to vector<256x64xf32>
    %mul3A_269 = arith.mulf %div3A_264, %mul3A_268 : vector<256x64xf32>
    %get3A_270 = arith.constant 0 : index
    %get3A_271 = arith.constant 384 : index
    %get3A_272 = vector.load %arg6[%get3A_270, %get3A_271] : memref<1x512xf32, #tpu.memory_space<vmem>>, vector<1x64xf32>
    %add3A_273 = vector.broadcast %get3A_272 : vector<1x64xf32> to vector<256x64xf32>
    %add3A_274 = arith.addf %mul3A_269, %add3A_273 : vector<256x64xf32>
    %convert_element_type3A_275 = arith.truncf %add3A_274 : vector<256x64xf32> to vector<256x64xbf16>
    %swap3A_276 = arith.constant 0 : index
    %swap3A_277 = arith.constant 2 : index
    %swap3A_278 = arith.constant 0 : index
    %swap3A_279 = arith.constant 0 : index
    %swap3A_280 = vector.load %arg8[%swap3A_276, %swap3A_277, %swap3A_278, %swap3A_279] : memref<1x4x256x64xbf16, #tpu.memory_space<vmem>>, vector<1x1x256x64xbf16>
    %swap3A_281 = vector.shape_cast %swap3A_280 : vector<1x1x256x64xbf16> to vector<256x64xbf16>
    %swap3A_282 = vector.shape_cast %convert_element_type3A_275 : vector<256x64xbf16> to vector<1x1x256x64xbf16>
    tpu.vector_store %arg8[%swap3A_276, %swap3A_277, %swap3A_278, %swap3A_279], %swap3A_282 {strides = array<i32>} : memref<1x4x256x64xbf16, #tpu.memory_space<vmem>>, vector<1x1x256x64xbf16>,
    %slice3A_283 = vector.extract_strided_slice %add3A_11 {offsets = [0, 448], sizes = [256, 64], strides = [1, 1]} : vector<256x512xf32> to vector<256x64xf32>
    %reduce_sum3A_284 = arith.constant dense<0.000000e+00> : vector<256xf32>
    %reduce_sum3A_285 = vector.multi_reduction <add>, %slice3A_283, %reduce_sum3A_284 [1] : vector<256x64xf32> to vector<256xf32>
    %broadcast_in_dim3A_286 = vector.shape_cast %reduce_sum3A_285 : vector<256xf32> to vector<256x1xf32>
    %div3A_287 = arith.constant 6.400000e+01 : f32
    %div3A_288 = vector.broadcast %div3A_287 : f32 to vector<256x1xf32>
    %div3A_289 = arith.divf %broadcast_in_dim3A_286, %div3A_288 : vector<256x1xf32>
    %sub3A_290 = vector.broadcast %div3A_289 : vector<256x1xf32> to vector<256x64xf32>
    %sub3A_291 = arith.subf %slice3A_283, %sub3A_290 : vector<256x64xf32>
    %mul3A_292 = arith.mulf %sub3A_291, %sub3A_291 : vector<256x64xf32>
    %reduce_sum3A_293 = arith.constant dense<0.000000e+00> : vector<256xf32>
    %reduce_sum3A_294 = vector.multi_reduction <add>, %mul3A_292, %reduce_sum3A_293 [1] : vector<256x64xf32> to vector<256xf32>
    %broadcast_in_dim3A_295 = vector.shape_cast %reduce_sum3A_294 : vector<256xf32> to vector<256x1xf32>
    %div3A_296 = arith.constant 6.400000e+01 : f32
    %div3A_297 = vector.broadcast %div3A_296 : f32 to vector<256x1xf32>
    %div3A_298 = arith.divf %broadcast_in_dim3A_295, %div3A_297 : vector<256x1xf32>
    %add3A_299 = arith.constant 9.99999974E-6 : f32
    %add3A_300 = vector.broadcast %add3A_299 : f32 to vector<256x1xf32>
    %add3A_301 = arith.addf %div3A_298, %add3A_300 : vector<256x1xf32>
    %sqrt3A_302 = math.sqrt %add3A_301 : vector<256x1xf32>
    %div3A_303 = vector.broadcast %sqrt3A_302 : vector<256x1xf32> to vector<256x64xf32>
    %div3A_304 = arith.divf %sub3A_291, %div3A_303 : vector<256x64xf32>
    %get3A_305 = arith.constant 0 : index
    %get3A_306 = arith.constant 448 : index
    %get3A_307 = vector.load %arg5[%get3A_305, %get3A_306] : memref<1x512xf32, #tpu.memory_space<vmem>>, vector<1x64xf32>
    %mul3A_308 = vector.broadcast %get3A_307 : vector<1x64xf32> to vector<256x64xf32>
    %mul3A_309 = arith.mulf %div3A_304, %mul3A_308 : vector<256x64xf32>
    %get3A_310 = arith.constant 0 : index
    %get3A_311 = arith.constant 448 : index
    %get3A_312 = vector.load %arg6[%get3A_310, %get3A_311] : memref<1x512xf32, #tpu.memory_space<vmem>>, vector<1x64xf32>
    %add3A_313 = vector.broadcast %get3A_312 : vector<1x64xf32> to vector<256x64xf32>
    %add3A_314 = arith.addf %mul3A_309, %add3A_313 : vector<256x64xf32>
    %convert_element_type3A_315 = arith.truncf %add3A_314 : vector<256x64xf32> to vector<256x64xbf16>
    %swap3A_316 = arith.constant 0 : index
    %swap3A_317 = arith.constant 3 : index
    %swap3A_318 = arith.constant 0 : index
    %swap3A_319 = arith.constant 0 : index
    %swap3A_320 = vector.load %arg8[%swap3A_316, %swap3A_317, %swap3A_318, %swap3A_319] : memref<1x4x256x64xbf16, #tpu.memory_space<vmem>>, vector<1x1x256x64xbf16>
    %swap3A_321 = vector.shape_cast %swap3A_320 : vector<1x1x256x64xbf16> to vector<256x64xbf16>
    %swap3A_322 = vector.shape_cast %convert_element_type3A_315 : vector<256x64xbf16> to vector<1x1x256x64xbf16>
    tpu.vector_store %arg8[%swap3A_316, %swap3A_317, %swap3A_318, %swap3A_319], %swap3A_322 {strides = array<i32>} : memref<1x4x256x64xbf16, #tpu.memory_space<vmem>>, vector<1x1x256x64xbf16>,
    return
  }
  func.func @transform_0(%arg0: i32, %arg1: i32) -> (i32, i32, i32) {
    %c0_i32 = arith.constant 0 : i32
    %c0_i32_0 = arith.constant 0 : i32
    return %arg0, %arg1, %c0_i32 : i32, i32, i32
  }
  func.func @transform_1(%arg0: i32, %arg1: i32) -> (i32, i32) {
    %c0_i32 = arith.constant 0 : i32
    %c0_i32_0 = arith.constant 0 : i32
    %c0_i32_1 = arith.constant 0 : i32
    return %c0_i32, %c0_i32_0 : i32, i32
  }
  func.func @transform_2(%arg0: i32, %arg1: i32) -> (i32, i32) {
    %c0_i32 = arith.constant 0 : i32
    %c0_i32_0 = arith.constant 0 : i32
    %c0_i32_1 = arith.constant 0 : i32
    return %c0_i32, %c0_i32_0 : i32, i32
  }
  func.func @transform_3(%arg0: i32, %arg1: i32) -> (i32, i32) {
    %c0_i32 = arith.constant 0 : i32
    %c0_i32_0 = arith.constant 0 : i32
    %c0_i32_1 = arith.constant 0 : i32
    return %c0_i32, %c0_i32_0 : i32, i32
  }
  func.func @transform_4(%arg0: i32, %arg1: i32) -> (i32, i32) {
    %c0_i32 = arith.constant 0 : i32
    %c0_i32_0 = arith.constant 0 : i32
    %c0_i32_1 = arith.constant 0 : i32
    return %c0_i32, %c0_i32_0 : i32, i32
  }
  func.func @transform_5(%arg0: i32, %arg1: i32) -> (i32, i32, i32, i32) {
    %c0_i32 = arith.constant 0 : i32
    %c0_i32_0 = arith.constant 0 : i32
    %c0_i32_1 = arith.constant 0 : i32
    return %arg0, %c0_i32, %arg1, %c0_i32_0 : i32, i32, i32, i32
  }
  func.func @transform_6(%arg0: i32, %arg1: i32) -> (i32, i32, i32, i32) {
    %c0_i32 = arith.constant 0 : i32
    %c0_i32_0 = arith.constant 0 : i32
    %c0_i32_1 = arith.constant 0 : i32
    return %arg0, %c0_i32, %arg1, %c0_i32_0 : i32, i32, i32, i32
  }
}

module attributes {stable_mosaic.version = 14 : i64} {
  func.func @_scores_body(%arg0: i32, %arg1: i32, %arg2: i32, %arg3: memref<4xf32, #tpu.memory_space<smem>>, %arg4: memref<1x1x256x64xbf16, #tpu.memory_space<vmem>>, %arg5: memref<1x1x2048x64xbf16, #tpu.memory_space<vmem>>, %arg6: memref<1x256x2048xf32, #tpu.memory_space<vmem>>, %arg7: memref<1x256x1xf32, #tpu.memory_space<vmem>>) attributes {dimension_semantics = [#tpu.dimension_semantics<arbitrary>, #tpu.dimension_semantics<arbitrary>, #tpu.dimension_semantics<arbitrary>], iteration_bounds = array<i64: 2, 8, 4>, scalar_prefetch = 0 : i64, scratch_operands = 0 : i64, tpu.core_type = #tpu.core_type<tc>, window_params = [{transform_indices = @transform_0, window_bounds = array<i64: 4>}, {transform_indices = @transform_1, window_bounds = array<i64: 1, 1, 256, 64>}, {transform_indices = @transform_2, window_bounds = array<i64: 1, 1, 2048, 64>}, {transform_indices = @transform_3, window_bounds = array<i64: 1, 256, 2048>}, {transform_indices = @transform_4, window_bounds = array<i64: 1, 256, 1>}]} {
    %get3A = arith.constant 0 : index
    %get3A_0 = arith.constant 0 : index
    %get3A_1 = arith.constant 0 : index
    %get3A_2 = arith.constant 0 : index
    %get3A_3 = vector.load %arg4[%get3A, %get3A_0, %get3A_1, %get3A_2] : memref<1x1x256x64xbf16, #tpu.memory_space<vmem>>, vector<1x1x256x64xbf16>
    %get3A_4 = vector.shape_cast %get3A_3 : vector<1x1x256x64xbf16> to vector<256x64xbf16>
    %get3A_5 = arith.constant 0 : index
    %get3A_6 = arith.constant 0 : index
    %get3A_7 = arith.constant 0 : index
    %get3A_8 = arith.constant 0 : index
    %get3A_9 = vector.load %arg5[%get3A_5, %get3A_6, %get3A_7, %get3A_8] : memref<1x1x2048x64xbf16, #tpu.memory_space<vmem>>, vector<1x1x2048x64xbf16>
    %get3A_10 = vector.shape_cast %get3A_9 : vector<1x1x2048x64xbf16> to vector<2048x64xbf16>
    %dot_general3A = arith.constant dense<0.000000e+00> : vector<256x2048xf32>
    %dot_general3A_11 = tpu.matmul %get3A_4, %get3A_10, %dot_general3A {dimension_numbers = #tpu.dot_dimension_numbers<[1], [1], [0], [0], [0, 0, 1, 0], [], []>, transpose_lhs_hint = false} : vector<256x64xbf16>, vector<2048x64xbf16>, vector<256x2048xf32> -> vector<256x2048xf32>
    %max3A = arith.constant 0.000000e+00 : f32
    %max3A_12 = vector.broadcast %max3A : f32 to vector<256x2048xf32>
    %max3A_13 = arith.maximumf %dot_general3A_11, %max3A_12 : vector<256x2048xf32>
    %convert_element_type3A = arith.truncf %max3A_13 : vector<256x2048xf32> to vector<256x2048xbf16>
    %convert_element_type3A_14 = arith.extf %convert_element_type3A : vector<256x2048xbf16> to vector<256x2048xf32>
    %get3A_15 = arith.index_cast %arg2 : i32 to index
    %get3A_16 = memref.load %arg3[%get3A_15] : memref<4xf32, #tpu.memory_space<smem>>
    %mul3A = vector.broadcast %get3A_16 : f32 to vector<256x2048xf32>
    %mul3A_17 = arith.mulf %convert_element_type3A_14, %mul3A : vector<256x2048xf32>
    %eq3A = arith.constant 0 : i32
    %eq3A_18 = arith.cmpi eq, %arg2, %eq3A : i32
    %convert_element_type3A_19 = arith.extui %eq3A_18 : i1 to i32
    %cond3A = arith.constant 0 : i32
    %cond3A_20 = arith.cmpi ne, %convert_element_type3A_19, %cond3A : i32
    scf.if %cond3A_20 {
      %swap3A = arith.constant 0 : index
      %swap3A_30 = arith.constant 0 : index
      %swap3A_31 = arith.constant 0 : index
      %swap3A_32 = vector.load %arg6[%swap3A, %swap3A_30, %swap3A_31] : memref<1x256x2048xf32, #tpu.memory_space<vmem>>, vector<1x256x2048xf32>
      %swap3A_33 = vector.shape_cast %swap3A_32 : vector<1x256x2048xf32> to vector<256x2048xf32>
      %swap3A_34 = vector.shape_cast %mul3A_17 : vector<256x2048xf32> to vector<1x256x2048xf32>
      tpu.vector_store %arg6[%swap3A, %swap3A_30, %swap3A_31], %swap3A_34 {strides = array<i32>} : memref<1x256x2048xf32, #tpu.memory_space<vmem>>, vector<1x256x2048xf32>,
    } else {
    }
    %ne3A = arith.constant 0 : i32
    %ne3A_21 = arith.cmpi ne, %arg2, %ne3A : i32
    %convert_element_type3A_22 = arith.extui %ne3A_21 : i1 to i32
    %cond3A_23 = arith.constant 0 : i32
    %cond3A_24 = arith.cmpi ne, %convert_element_type3A_22, %cond3A_23 : i32
    scf.if %cond3A_24 {
      %get3A_30 = arith.constant 0 : index
      %get3A_31 = arith.constant 0 : index
      %get3A_32 = arith.constant 0 : index
      %get3A_33 = vector.load %arg6[%get3A_30, %get3A_31, %get3A_32] : memref<1x256x2048xf32, #tpu.memory_space<vmem>>, vector<1x256x2048xf32>
      %get3A_34 = vector.shape_cast %get3A_33 : vector<1x256x2048xf32> to vector<256x2048xf32>
      %add3A = arith.addf %get3A_34, %mul3A_17 : vector<256x2048xf32>
      %swap3A = arith.constant 0 : index
      %swap3A_35 = arith.constant 0 : index
      %swap3A_36 = arith.constant 0 : index
      %swap3A_37 = vector.load %arg6[%swap3A, %swap3A_35, %swap3A_36] : memref<1x256x2048xf32, #tpu.memory_space<vmem>>, vector<1x256x2048xf32>
      %swap3A_38 = vector.shape_cast %swap3A_37 : vector<1x256x2048xf32> to vector<256x2048xf32>
      %swap3A_39 = vector.shape_cast %add3A : vector<256x2048xf32> to vector<1x256x2048xf32>
      tpu.vector_store %arg6[%swap3A, %swap3A_35, %swap3A_36], %swap3A_39 {strides = array<i32>} : memref<1x256x2048xf32, #tpu.memory_space<vmem>>, vector<1x256x2048xf32>,
    } else {
    }
    %eq3A_25 = arith.constant 3 : i32
    %eq3A_26 = arith.cmpi eq, %arg2, %eq3A_25 : i32
    %convert_element_type3A_27 = arith.extui %eq3A_26 : i1 to i32
    %cond3A_28 = arith.constant 0 : i32
    %cond3A_29 = arith.cmpi ne, %convert_element_type3A_27, %cond3A_28 : i32
    scf.if %cond3A_29 {
      %get3A_30 = arith.constant 0 : index
      %get3A_31 = arith.constant 0 : index
      %get3A_32 = arith.constant 0 : index
      %get3A_33 = vector.load %arg6[%get3A_30, %get3A_31, %get3A_32] : memref<1x256x2048xf32, #tpu.memory_space<vmem>>, vector<1x256x2048xf32>
      %get3A_34 = vector.shape_cast %get3A_33 : vector<1x256x2048xf32> to vector<256x2048xf32>
      %bitcast_convert_type3A = tpu.bitcast %get3A_34 : vector<256x2048xf32> -> vector<256x2048xi32>
      %broadcast_in_dim3A = arith.constant 1.000000e+00 : bf16
      %broadcast_in_dim3A_35 = vector.broadcast %broadcast_in_dim3A : bf16 to vector<2048x8xbf16>
      %broadcast_in_dim3A_36 = arith.constant 0 : i32
      %broadcast_in_dim3A_37 = vector.broadcast %broadcast_in_dim3A_36 : i32 to vector<256x1xi32>
      %broadcast_in_dim3A_38 = arith.constant 2139095039 : i32
      %broadcast_in_dim3A_39 = vector.broadcast %broadcast_in_dim3A_38 : i32 to vector<256x1xi32>
      %sub3A = arith.subi %broadcast_in_dim3A_39, %broadcast_in_dim3A_37 : vector<256x1xi32>
      %add3A = arith.constant 1 : i32
      %add3A_40 = vector.broadcast %add3A : i32 to vector<256x1xi32>
      %add3A_41 = arith.addi %sub3A, %add3A_40 : vector<256x1xi32>
      %shift_right_arithmetic3A = arith.constant 1 : i32
      %shift_right_arithmetic3A_42 = vector.broadcast %shift_right_arithmetic3A : i32 to vector<256x1xi32>
      %shift_right_arithmetic3A_43 = arith.shrsi %add3A_41, %shift_right_arithmetic3A_42 : vector<256x1xi32>
      %add3A_44 = arith.addi %broadcast_in_dim3A_37, %shift_right_arithmetic3A_43 : vector<256x1xi32>
      %ge3A = vector.broadcast %add3A_44 : vector<256x1xi32> to vector<256x2048xi32>
      %ge3A_45 = arith.cmpi sge, %bitcast_convert_type3A, %ge3A : vector<256x2048xi32>
      %convert_element_type3A_46 = arith.extui %ge3A_45 : vector<256x2048xi1> to vector<256x2048xi32>
      %convert_element_type3A_47 = arith.sitofp %convert_element_type3A_46 : vector<256x2048xi32> to vector<256x2048xf32>
      %convert_element_type3A_48 = arith.truncf %convert_element_type3A_47 : vector<256x2048xf32> to vector<256x2048xbf16>
      %dot_general3A_49 = arith.constant dense<0.000000e+00> : vector<256x8xf32>
      %dot_general3A_50 = tpu.matmul %convert_element_type3A_48, %broadcast_in_dim3A_35, %dot_general3A_49 {dimension_numbers = #tpu.dot_dimension_numbers<[1], [0], [0], [1], [0, 0, 1, 1], [], []>, transpose_lhs_hint = false} : vector<256x2048xbf16>, vector<2048x8xbf16>, vector<256x8xf32> -> vector<256x8xf32>
      %slice3A = vector.extract_strided_slice %dot_general3A_50 {offsets = [0, 0], sizes = [256, 1], strides = [1, 1]} : vector<256x8xf32> to vector<256x1xf32>
      %ge3A_51 = arith.constant 2.560000e+02 : f32
      %ge3A_52 = vector.broadcast %ge3A_51 : f32 to vector<256x1xf32>
      %ge3A_53 = arith.cmpf oge, %slice3A, %ge3A_52 : vector<256x1xf32>
      %select_n3A = arith.select %ge3A_53, %add3A_44, %broadcast_in_dim3A_37 : vector<256x1xi1>, vector<256x1xi32>
      %sub3A_54 = arith.constant 1 : i32
      %sub3A_55 = vector.broadcast %sub3A_54 : i32 to vector<256x1xi32>
      %sub3A_56 = arith.subi %add3A_44, %sub3A_55 : vector<256x1xi32>
      %select_n3A_57 = arith.select %ge3A_53, %broadcast_in_dim3A_39, %sub3A_56 : vector<256x1xi1>, vector<256x1xi32>
      %sub3A_58 = arith.subi %select_n3A_57, %select_n3A : vector<256x1xi32>
      %add3A_59 = arith.constant 1 : i32
      %add3A_60 = vector.broadcast %add3A_59 : i32 to vector<256x1xi32>
      %add3A_61 = arith.addi %sub3A_58, %add3A_60 : vector<256x1xi32>
      %shift_right_arithmetic3A_62 = arith.constant 1 : i32
      %shift_right_arithmetic3A_63 = vector.broadcast %shift_right_arithmetic3A_62 : i32 to vector<256x1xi32>
      %shift_right_arithmetic3A_64 = arith.shrsi %add3A_61, %shift_right_arithmetic3A_63 : vector<256x1xi32>
      %add3A_65 = arith.addi %select_n3A, %shift_right_arithmetic3A_64 : vector<256x1xi32>
      %ge3A_66 = vector.broadcast %add3A_65 : vector<256x1xi32> to vector<256x2048xi32>
      %ge3A_67 = arith.cmpi sge, %bitcast_convert_type3A, %ge3A_66 : vector<256x2048xi32>
      %convert_element_type3A_68 = arith.extui %ge3A_67 : vector<256x2048xi1> to vector<256x2048xi32>
      %convert_element_type3A_69 = arith.sitofp %convert_element_type3A_68 : vector<256x2048xi32> to vector<256x2048xf32>
      %convert_element_type3A_70 = arith.truncf %convert_element_type3A_69 : vector<256x2048xf32> to vector<256x2048xbf16>
      %dot_general3A_71 = arith.constant dense<0.000000e+00> : vector<256x8xf32>
      %dot_general3A_72 = tpu.matmul %convert_element_type3A_70, %broadcast_in_dim3A_35, %dot_general3A_71 {dimension_numbers = #tpu.dot_dimension_numbers<[1], [0], [0], [1], [0, 0, 1, 1], [], []>, transpose_lhs_hint = false} : vector<256x2048xbf16>, vector<2048x8xbf16>, vector<256x8xf32> -> vector<256x8xf32>
      %slice3A_73 = vector.extract_strided_slice %dot_general3A_72 {offsets = [0, 0], sizes = [256, 1], strides = [1, 1]} : vector<256x8xf32> to vector<256x1xf32>
      %ge3A_74 = arith.constant 2.560000e+02 : f32
      %ge3A_75 = vector.broadcast %ge3A_74 : f32 to vector<256x1xf32>
      %ge3A_76 = arith.cmpf oge, %slice3A_73, %ge3A_75 : vector<256x1xf32>
      %select_n3A_77 = arith.select %ge3A_76, %add3A_65, %select_n3A : vector<256x1xi1>, vector<256x1xi32>
      %sub3A_78 = arith.constant 1 : i32
      %sub3A_79 = vector.broadcast %sub3A_78 : i32 to vector<256x1xi32>
      %sub3A_80 = arith.subi %add3A_65, %sub3A_79 : vector<256x1xi32>
      %select_n3A_81 = arith.select %ge3A_76, %select_n3A_57, %sub3A_80 : vector<256x1xi1>, vector<256x1xi32>
      %sub3A_82 = arith.subi %select_n3A_81, %select_n3A_77 : vector<256x1xi32>
      %add3A_83 = arith.constant 1 : i32
      %add3A_84 = vector.broadcast %add3A_83 : i32 to vector<256x1xi32>
      %add3A_85 = arith.addi %sub3A_82, %add3A_84 : vector<256x1xi32>
      %shift_right_arithmetic3A_86 = arith.constant 1 : i32
      %shift_right_arithmetic3A_87 = vector.broadcast %shift_right_arithmetic3A_86 : i32 to vector<256x1xi32>
      %shift_right_arithmetic3A_88 = arith.shrsi %add3A_85, %shift_right_arithmetic3A_87 : vector<256x1xi32>
      %add3A_89 = arith.addi %select_n3A_77, %shift_right_arithmetic3A_88 : vector<256x1xi32>
      %ge3A_90 = vector.broadcast %add3A_89 : vector<256x1xi32> to vector<256x2048xi32>
      %ge3A_91 = arith.cmpi sge, %bitcast_convert_type3A, %ge3A_90 : vector<256x2048xi32>
      %convert_element_type3A_92 = arith.extui %ge3A_91 : vector<256x2048xi1> to vector<256x2048xi32>
      %convert_element_type3A_93 = arith.sitofp %convert_element_type3A_92 : vector<256x2048xi32> to vector<256x2048xf32>
      %convert_element_type3A_94 = arith.truncf %convert_element_type3A_93 : vector<256x2048xf32> to vector<256x2048xbf16>
      %dot_general3A_95 = arith.constant dense<0.000000e+00> : vector<256x8xf32>
      %dot_general3A_96 = tpu.matmul %convert_element_type3A_94, %broadcast_in_dim3A_35, %dot_general3A_95 {dimension_numbers = #tpu.dot_dimension_numbers<[1], [0], [0], [1], [0, 0, 1, 1], [], []>, transpose_lhs_hint = false} : vector<256x2048xbf16>, vector<2048x8xbf16>, vector<256x8xf32> -> vector<256x8xf32>
      %slice3A_97 = vector.extract_strided_slice %dot_general3A_96 {offsets = [0, 0], sizes = [256, 1], strides = [1, 1]} : vector<256x8xf32> to vector<256x1xf32>
      %ge3A_98 = arith.constant 2.560000e+02 : f32
      %ge3A_99 = vector.broadcast %ge3A_98 : f32 to vector<256x1xf32>
      %ge3A_100 = arith.cmpf oge, %slice3A_97, %ge3A_99 : vector<256x1xf32>
      %select_n3A_101 = arith.select %ge3A_100, %add3A_89, %select_n3A_77 : vector<256x1xi1>, vector<256x1xi32>
      %sub3A_102 = arith.constant 1 : i32
      %sub3A_103 = vector.broadcast %sub3A_102 : i32 to vector<256x1xi32>
      %sub3A_104 = arith.subi %add3A_89, %sub3A_103 : vector<256x1xi32>
      %select_n3A_105 = arith.select %ge3A_100, %select_n3A_81, %sub3A_104 : vector<256x1xi1>, vector<256x1xi32>
      %sub3A_106 = arith.subi %select_n3A_105, %select_n3A_101 : vector<256x1xi32>
      %add3A_107 = arith.constant 1 : i32
      %add3A_108 = vector.broadcast %add3A_107 : i32 to vector<256x1xi32>
      %add3A_109 = arith.addi %sub3A_106, %add3A_108 : vector<256x1xi32>
      %shift_right_arithmetic3A_110 = arith.constant 1 : i32
      %shift_right_arithmetic3A_111 = vector.broadcast %shift_right_arithmetic3A_110 : i32 to vector<256x1xi32>
      %shift_right_arithmetic3A_112 = arith.shrsi %add3A_109, %shift_right_arithmetic3A_111 : vector<256x1xi32>
      %add3A_113 = arith.addi %select_n3A_101, %shift_right_arithmetic3A_112 : vector<256x1xi32>
      %ge3A_114 = vector.broadcast %add3A_113 : vector<256x1xi32> to vector<256x2048xi32>
      %ge3A_115 = arith.cmpi sge, %bitcast_convert_type3A, %ge3A_114 : vector<256x2048xi32>
      %convert_element_type3A_116 = arith.extui %ge3A_115 : vector<256x2048xi1> to vector<256x2048xi32>
      %convert_element_type3A_117 = arith.sitofp %convert_element_type3A_116 : vector<256x2048xi32> to vector<256x2048xf32>
      %convert_element_type3A_118 = arith.truncf %convert_element_type3A_117 : vector<256x2048xf32> to vector<256x2048xbf16>
      %dot_general3A_119 = arith.constant dense<0.000000e+00> : vector<256x8xf32>
      %dot_general3A_120 = tpu.matmul %convert_element_type3A_118, %broadcast_in_dim3A_35, %dot_general3A_119 {dimension_numbers = #tpu.dot_dimension_numbers<[1], [0], [0], [1], [0, 0, 1, 1], [], []>, transpose_lhs_hint = false} : vector<256x2048xbf16>, vector<2048x8xbf16>, vector<256x8xf32> -> vector<256x8xf32>
      %slice3A_121 = vector.extract_strided_slice %dot_general3A_120 {offsets = [0, 0], sizes = [256, 1], strides = [1, 1]} : vector<256x8xf32> to vector<256x1xf32>
      %ge3A_122 = arith.constant 2.560000e+02 : f32
      %ge3A_123 = vector.broadcast %ge3A_122 : f32 to vector<256x1xf32>
      %ge3A_124 = arith.cmpf oge, %slice3A_121, %ge3A_123 : vector<256x1xf32>
      %select_n3A_125 = arith.select %ge3A_124, %add3A_113, %select_n3A_101 : vector<256x1xi1>, vector<256x1xi32>
      %sub3A_126 = arith.constant 1 : i32
      %sub3A_127 = vector.broadcast %sub3A_126 : i32 to vector<256x1xi32>
      %sub3A_128 = arith.subi %add3A_113, %sub3A_127 : vector<256x1xi32>
      %select_n3A_129 = arith.select %ge3A_124, %select_n3A_105, %sub3A_128 : vector<256x1xi1>, vector<256x1xi32>
      %sub3A_130 = arith.subi %select_n3A_129, %select_n3A_125 : vector<256x1xi32>
      %add3A_131 = arith.constant 1 : i32
      %add3A_132 = vector.broadcast %add3A_131 : i32 to vector<256x1xi32>
      %add3A_133 = arith.addi %sub3A_130, %add3A_132 : vector<256x1xi32>
      %shift_right_arithmetic3A_134 = arith.constant 1 : i32
      %shift_right_arithmetic3A_135 = vector.broadcast %shift_right_arithmetic3A_134 : i32 to vector<256x1xi32>
      %shift_right_arithmetic3A_136 = arith.shrsi %add3A_133, %shift_right_arithmetic3A_135 : vector<256x1xi32>
      %add3A_137 = arith.addi %select_n3A_125, %shift_right_arithmetic3A_136 : vector<256x1xi32>
      %ge3A_138 = vector.broadcast %add3A_137 : vector<256x1xi32> to vector<256x2048xi32>
      %ge3A_139 = arith.cmpi sge, %bitcast_convert_type3A, %ge3A_138 : vector<256x2048xi32>
      %convert_element_type3A_140 = arith.extui %ge3A_139 : vector<256x2048xi1> to vector<256x2048xi32>
      %convert_element_type3A_141 = arith.sitofp %convert_element_type3A_140 : vector<256x2048xi32> to vector<256x2048xf32>
      %convert_element_type3A_142 = arith.truncf %convert_element_type3A_141 : vector<256x2048xf32> to vector<256x2048xbf16>
      %dot_general3A_143 = arith.constant dense<0.000000e+00> : vector<256x8xf32>
      %dot_general3A_144 = tpu.matmul %convert_element_type3A_142, %broadcast_in_dim3A_35, %dot_general3A_143 {dimension_numbers = #tpu.dot_dimension_numbers<[1], [0], [0], [1], [0, 0, 1, 1], [], []>, transpose_lhs_hint = false} : vector<256x2048xbf16>, vector<2048x8xbf16>, vector<256x8xf32> -> vector<256x8xf32>
      %slice3A_145 = vector.extract_strided_slice %dot_general3A_144 {offsets = [0, 0], sizes = [256, 1], strides = [1, 1]} : vector<256x8xf32> to vector<256x1xf32>
      %ge3A_146 = arith.constant 2.560000e+02 : f32
      %ge3A_147 = vector.broadcast %ge3A_146 : f32 to vector<256x1xf32>
      %ge3A_148 = arith.cmpf oge, %slice3A_145, %ge3A_147 : vector<256x1xf32>
      %select_n3A_149 = arith.select %ge3A_148, %add3A_137, %select_n3A_125 : vector<256x1xi1>, vector<256x1xi32>
      %sub3A_150 = arith.constant 1 : i32
      %sub3A_151 = vector.broadcast %sub3A_150 : i32 to vector<256x1xi32>
      %sub3A_152 = arith.subi %add3A_137, %sub3A_151 : vector<256x1xi32>
      %select_n3A_153 = arith.select %ge3A_148, %select_n3A_129, %sub3A_152 : vector<256x1xi1>, vector<256x1xi32>
      %sub3A_154 = arith.subi %select_n3A_153, %select_n3A_149 : vector<256x1xi32>
      %add3A_155 = arith.constant 1 : i32
      %add3A_156 = vector.broadcast %add3A_155 : i32 to vector<256x1xi32>
      %add3A_157 = arith.addi %sub3A_154, %add3A_156 : vector<256x1xi32>
      %shift_right_arithmetic3A_158 = arith.constant 1 : i32
      %shift_right_arithmetic3A_159 = vector.broadcast %shift_right_arithmetic3A_158 : i32 to vector<256x1xi32>
      %shift_right_arithmetic3A_160 = arith.shrsi %add3A_157, %shift_right_arithmetic3A_159 : vector<256x1xi32>
      %add3A_161 = arith.addi %select_n3A_149, %shift_right_arithmetic3A_160 : vector<256x1xi32>
      %ge3A_162 = vector.broadcast %add3A_161 : vector<256x1xi32> to vector<256x2048xi32>
      %ge3A_163 = arith.cmpi sge, %bitcast_convert_type3A, %ge3A_162 : vector<256x2048xi32>
      %convert_element_type3A_164 = arith.extui %ge3A_163 : vector<256x2048xi1> to vector<256x2048xi32>
      %convert_element_type3A_165 = arith.sitofp %convert_element_type3A_164 : vector<256x2048xi32> to vector<256x2048xf32>
      %convert_element_type3A_166 = arith.truncf %convert_element_type3A_165 : vector<256x2048xf32> to vector<256x2048xbf16>
      %dot_general3A_167 = arith.constant dense<0.000000e+00> : vector<256x8xf32>
      %dot_general3A_168 = tpu.matmul %convert_element_type3A_166, %broadcast_in_dim3A_35, %dot_general3A_167 {dimension_numbers = #tpu.dot_dimension_numbers<[1], [0], [0], [1], [0, 0, 1, 1], [], []>, transpose_lhs_hint = false} : vector<256x2048xbf16>, vector<2048x8xbf16>, vector<256x8xf32> -> vector<256x8xf32>
      %slice3A_169 = vector.extract_strided_slice %dot_general3A_168 {offsets = [0, 0], sizes = [256, 1], strides = [1, 1]} : vector<256x8xf32> to vector<256x1xf32>
      %ge3A_170 = arith.constant 2.560000e+02 : f32
      %ge3A_171 = vector.broadcast %ge3A_170 : f32 to vector<256x1xf32>
      %ge3A_172 = arith.cmpf oge, %slice3A_169, %ge3A_171 : vector<256x1xf32>
      %select_n3A_173 = arith.select %ge3A_172, %add3A_161, %select_n3A_149 : vector<256x1xi1>, vector<256x1xi32>
      %sub3A_174 = arith.constant 1 : i32
      %sub3A_175 = vector.broadcast %sub3A_174 : i32 to vector<256x1xi32>
      %sub3A_176 = arith.subi %add3A_161, %sub3A_175 : vector<256x1xi32>
      %select_n3A_177 = arith.select %ge3A_172, %select_n3A_153, %sub3A_176 : vector<256x1xi1>, vector<256x1xi32>
      %sub3A_178 = arith.subi %select_n3A_177, %select_n3A_173 : vector<256x1xi32>
      %add3A_179 = arith.constant 1 : i32
      %add3A_180 = vector.broadcast %add3A_179 : i32 to vector<256x1xi32>
      %add3A_181 = arith.addi %sub3A_178, %add3A_180 : vector<256x1xi32>
      %shift_right_arithmetic3A_182 = arith.constant 1 : i32
      %shift_right_arithmetic3A_183 = vector.broadcast %shift_right_arithmetic3A_182 : i32 to vector<256x1xi32>
      %shift_right_arithmetic3A_184 = arith.shrsi %add3A_181, %shift_right_arithmetic3A_183 : vector<256x1xi32>
      %add3A_185 = arith.addi %select_n3A_173, %shift_right_arithmetic3A_184 : vector<256x1xi32>
      %ge3A_186 = vector.broadcast %add3A_185 : vector<256x1xi32> to vector<256x2048xi32>
      %ge3A_187 = arith.cmpi sge, %bitcast_convert_type3A, %ge3A_186 : vector<256x2048xi32>
      %convert_element_type3A_188 = arith.extui %ge3A_187 : vector<256x2048xi1> to vector<256x2048xi32>
      %convert_element_type3A_189 = arith.sitofp %convert_element_type3A_188 : vector<256x2048xi32> to vector<256x2048xf32>
      %convert_element_type3A_190 = arith.truncf %convert_element_type3A_189 : vector<256x2048xf32> to vector<256x2048xbf16>
      %dot_general3A_191 = arith.constant dense<0.000000e+00> : vector<256x8xf32>
      %dot_general3A_192 = tpu.matmul %convert_element_type3A_190, %broadcast_in_dim3A_35, %dot_general3A_191 {dimension_numbers = #tpu.dot_dimension_numbers<[1], [0], [0], [1], [0, 0, 1, 1], [], []>, transpose_lhs_hint = false} : vector<256x2048xbf16>, vector<2048x8xbf16>, vector<256x8xf32> -> vector<256x8xf32>
      %slice3A_193 = vector.extract_strided_slice %dot_general3A_192 {offsets = [0, 0], sizes = [256, 1], strides = [1, 1]} : vector<256x8xf32> to vector<256x1xf32>
      %ge3A_194 = arith.constant 2.560000e+02 : f32
      %ge3A_195 = vector.broadcast %ge3A_194 : f32 to vector<256x1xf32>
      %ge3A_196 = arith.cmpf oge, %slice3A_193, %ge3A_195 : vector<256x1xf32>
      %select_n3A_197 = arith.select %ge3A_196, %add3A_185, %select_n3A_173 : vector<256x1xi1>, vector<256x1xi32>
      %sub3A_198 = arith.constant 1 : i32
      %sub3A_199 = vector.broadcast %sub3A_198 : i32 to vector<256x1xi32>
      %sub3A_200 = arith.subi %add3A_185, %sub3A_199 : vector<256x1xi32>
      %select_n3A_201 = arith.select %ge3A_196, %select_n3A_177, %sub3A_200 : vector<256x1xi1>, vector<256x1xi32>
      %sub3A_202 = arith.subi %select_n3A_201, %select_n3A_197 : vector<256x1xi32>
      %add3A_203 = arith.constant 1 : i32
      %add3A_204 = vector.broadcast %add3A_203 : i32 to vector<256x1xi32>
      %add3A_205 = arith.addi %sub3A_202, %add3A_204 : vector<256x1xi32>
      %shift_right_arithmetic3A_206 = arith.constant 1 : i32
      %shift_right_arithmetic3A_207 = vector.broadcast %shift_right_arithmetic3A_206 : i32 to vector<256x1xi32>
      %shift_right_arithmetic3A_208 = arith.shrsi %add3A_205, %shift_right_arithmetic3A_207 : vector<256x1xi32>
      %add3A_209 = arith.addi %select_n3A_197, %shift_right_arithmetic3A_208 : vector<256x1xi32>
      %ge3A_210 = vector.broadcast %add3A_209 : vector<256x1xi32> to vector<256x2048xi32>
      %ge3A_211 = arith.cmpi sge, %bitcast_convert_type3A, %ge3A_210 : vector<256x2048xi32>
      %convert_element_type3A_212 = arith.extui %ge3A_211 : vector<256x2048xi1> to vector<256x2048xi32>
      %convert_element_type3A_213 = arith.sitofp %convert_element_type3A_212 : vector<256x2048xi32> to vector<256x2048xf32>
      %convert_element_type3A_214 = arith.truncf %convert_element_type3A_213 : vector<256x2048xf32> to vector<256x2048xbf16>
      %dot_general3A_215 = arith.constant dense<0.000000e+00> : vector<256x8xf32>
      %dot_general3A_216 = tpu.matmul %convert_element_type3A_214, %broadcast_in_dim3A_35, %dot_general3A_215 {dimension_numbers = #tpu.dot_dimension_numbers<[1], [0], [0], [1], [0, 0, 1, 1], [], []>, transpose_lhs_hint = false} : vector<256x2048xbf16>, vector<2048x8xbf16>, vector<256x8xf32> -> vector<256x8xf32>
      %slice3A_217 = vector.extract_strided_slice %dot_general3A_216 {offsets = [0, 0], sizes = [256, 1], strides = [1, 1]} : vector<256x8xf32> to vector<256x1xf32>
      %ge3A_218 = arith.constant 2.560000e+02 : f32
      %ge3A_219 = vector.broadcast %ge3A_218 : f32 to vector<256x1xf32>
      %ge3A_220 = arith.cmpf oge, %slice3A_217, %ge3A_219 : vector<256x1xf32>
      %select_n3A_221 = arith.select %ge3A_220, %add3A_209, %select_n3A_197 : vector<256x1xi1>, vector<256x1xi32>
      %sub3A_222 = arith.constant 1 : i32
      %sub3A_223 = vector.broadcast %sub3A_222 : i32 to vector<256x1xi32>
      %sub3A_224 = arith.subi %add3A_209, %sub3A_223 : vector<256x1xi32>
      %select_n3A_225 = arith.select %ge3A_220, %select_n3A_201, %sub3A_224 : vector<256x1xi1>, vector<256x1xi32>
      %sub3A_226 = arith.subi %select_n3A_225, %select_n3A_221 : vector<256x1xi32>
      %add3A_227 = arith.constant 1 : i32
      %add3A_228 = vector.broadcast %add3A_227 : i32 to vector<256x1xi32>
      %add3A_229 = arith.addi %sub3A_226, %add3A_228 : vector<256x1xi32>
      %shift_right_arithmetic3A_230 = arith.constant 1 : i32
      %shift_right_arithmetic3A_231 = vector.broadcast %shift_right_arithmetic3A_230 : i32 to vector<256x1xi32>
      %shift_right_arithmetic3A_232 = arith.shrsi %add3A_229, %shift_right_arithmetic3A_231 : vector<256x1xi32>
      %add3A_233 = arith.addi %select_n3A_221, %shift_right_arithmetic3A_232 : vector<256x1xi32>
      %ge3A_234 = vector.broadcast %add3A_233 : vector<256x1xi32> to vector<256x2048xi32>
      %ge3A_235 = arith.cmpi sge, %bitcast_convert_type3A, %ge3A_234 : vector<256x2048xi32>
      %convert_element_type3A_236 = arith.extui %ge3A_235 : vector<256x2048xi1> to vector<256x2048xi32>
      %convert_element_type3A_237 = arith.sitofp %convert_element_type3A_236 : vector<256x2048xi32> to vector<256x2048xf32>
      %convert_element_type3A_238 = arith.truncf %convert_element_type3A_237 : vector<256x2048xf32> to vector<256x2048xbf16>
      %dot_general3A_239 = arith.constant dense<0.000000e+00> : vector<256x8xf32>
      %dot_general3A_240 = tpu.matmul %convert_element_type3A_238, %broadcast_in_dim3A_35, %dot_general3A_239 {dimension_numbers = #tpu.dot_dimension_numbers<[1], [0], [0], [1], [0, 0, 1, 1], [], []>, transpose_lhs_hint = false} : vector<256x2048xbf16>, vector<2048x8xbf16>, vector<256x8xf32> -> vector<256x8xf32>
      %slice3A_241 = vector.extract_strided_slice %dot_general3A_240 {offsets = [0, 0], sizes = [256, 1], strides = [1, 1]} : vector<256x8xf32> to vector<256x1xf32>
      %ge3A_242 = arith.constant 2.560000e+02 : f32
      %ge3A_243 = vector.broadcast %ge3A_242 : f32 to vector<256x1xf32>
      %ge3A_244 = arith.cmpf oge, %slice3A_241, %ge3A_243 : vector<256x1xf32>
      %select_n3A_245 = arith.select %ge3A_244, %add3A_233, %select_n3A_221 : vector<256x1xi1>, vector<256x1xi32>
      %sub3A_246 = arith.constant 1 : i32
      %sub3A_247 = vector.broadcast %sub3A_246 : i32 to vector<256x1xi32>
      %sub3A_248 = arith.subi %add3A_233, %sub3A_247 : vector<256x1xi32>
      %select_n3A_249 = arith.select %ge3A_244, %select_n3A_225, %sub3A_248 : vector<256x1xi1>, vector<256x1xi32>
      %sub3A_250 = arith.subi %select_n3A_249, %select_n3A_245 : vector<256x1xi32>
      %add3A_251 = arith.constant 1 : i32
      %add3A_252 = vector.broadcast %add3A_251 : i32 to vector<256x1xi32>
      %add3A_253 = arith.addi %sub3A_250, %add3A_252 : vector<256x1xi32>
      %shift_right_arithmetic3A_254 = arith.constant 1 : i32
      %shift_right_arithmetic3A_255 = vector.broadcast %shift_right_arithmetic3A_254 : i32 to vector<256x1xi32>
      %shift_right_arithmetic3A_256 = arith.shrsi %add3A_253, %shift_right_arithmetic3A_255 : vector<256x1xi32>
      %add3A_257 = arith.addi %select_n3A_245, %shift_right_arithmetic3A_256 : vector<256x1xi32>
      %ge3A_258 = vector.broadcast %add3A_257 : vector<256x1xi32> to vector<256x2048xi32>
      %ge3A_259 = arith.cmpi sge, %bitcast_convert_type3A, %ge3A_258 : vector<256x2048xi32>
      %convert_element_type3A_260 = arith.extui %ge3A_259 : vector<256x2048xi1> to vector<256x2048xi32>
      %convert_element_type3A_261 = arith.sitofp %convert_element_type3A_260 : vector<256x2048xi32> to vector<256x2048xf32>
      %convert_element_type3A_262 = arith.truncf %convert_element_type3A_261 : vector<256x2048xf32> to vector<256x2048xbf16>
      %dot_general3A_263 = arith.constant dense<0.000000e+00> : vector<256x8xf32>
      %dot_general3A_264 = tpu.matmul %convert_element_type3A_262, %broadcast_in_dim3A_35, %dot_general3A_263 {dimension_numbers = #tpu.dot_dimension_numbers<[1], [0], [0], [1], [0, 0, 1, 1], [], []>, transpose_lhs_hint = false} : vector<256x2048xbf16>, vector<2048x8xbf16>, vector<256x8xf32> -> vector<256x8xf32>
      %slice3A_265 = vector.extract_strided_slice %dot_general3A_264 {offsets = [0, 0], sizes = [256, 1], strides = [1, 1]} : vector<256x8xf32> to vector<256x1xf32>
      %ge3A_266 = arith.constant 2.560000e+02 : f32
      %ge3A_267 = vector.broadcast %ge3A_266 : f32 to vector<256x1xf32>
      %ge3A_268 = arith.cmpf oge, %slice3A_265, %ge3A_267 : vector<256x1xf32>
      %select_n3A_269 = arith.select %ge3A_268, %add3A_257, %select_n3A_245 : vector<256x1xi1>, vector<256x1xi32>
      %sub3A_270 = arith.constant 1 : i32
      %sub3A_271 = vector.broadcast %sub3A_270 : i32 to vector<256x1xi32>
      %sub3A_272 = arith.subi %add3A_257, %sub3A_271 : vector<256x1xi32>
      %select_n3A_273 = arith.select %ge3A_268, %select_n3A_249, %sub3A_272 : vector<256x1xi1>, vector<256x1xi32>
      %sub3A_274 = arith.subi %select_n3A_273, %select_n3A_269 : vector<256x1xi32>
      %add3A_275 = arith.constant 1 : i32
      %add3A_276 = vector.broadcast %add3A_275 : i32 to vector<256x1xi32>
      %add3A_277 = arith.addi %sub3A_274, %add3A_276 : vector<256x1xi32>
      %shift_right_arithmetic3A_278 = arith.constant 1 : i32
      %shift_right_arithmetic3A_279 = vector.broadcast %shift_right_arithmetic3A_278 : i32 to vector<256x1xi32>
      %shift_right_arithmetic3A_280 = arith.shrsi %add3A_277, %shift_right_arithmetic3A_279 : vector<256x1xi32>
      %add3A_281 = arith.addi %select_n3A_269, %shift_right_arithmetic3A_280 : vector<256x1xi32>
      %ge3A_282 = vector.broadcast %add3A_281 : vector<256x1xi32> to vector<256x2048xi32>
      %ge3A_283 = arith.cmpi sge, %bitcast_convert_type3A, %ge3A_282 : vector<256x2048xi32>
      %convert_element_type3A_284 = arith.extui %ge3A_283 : vector<256x2048xi1> to vector<256x2048xi32>
      %convert_element_type3A_285 = arith.sitofp %convert_element_type3A_284 : vector<256x2048xi32> to vector<256x2048xf32>
      %convert_element_type3A_286 = arith.truncf %convert_element_type3A_285 : vector<256x2048xf32> to vector<256x2048xbf16>
      %dot_general3A_287 = arith.constant dense<0.000000e+00> : vector<256x8xf32>
      %dot_general3A_288 = tpu.matmul %convert_element_type3A_286, %broadcast_in_dim3A_35, %dot_general3A_287 {dimension_numbers = #tpu.dot_dimension_numbers<[1], [0], [0], [1], [0, 0, 1, 1], [], []>, transpose_lhs_hint = false} : vector<256x2048xbf16>, vector<2048x8xbf16>, vector<256x8xf32> -> vector<256x8xf32>
      %slice3A_289 = vector.extract_strided_slice %dot_general3A_288 {offsets = [0, 0], sizes = [256, 1], strides = [1, 1]} : vector<256x8xf32> to vector<256x1xf32>
      %ge3A_290 = arith.constant 2.560000e+02 : f32
      %ge3A_291 = vector.broadcast %ge3A_290 : f32 to vector<256x1xf32>
      %ge3A_292 = arith.cmpf oge, %slice3A_289, %ge3A_291 : vector<256x1xf32>
      %select_n3A_293 = arith.select %ge3A_292, %add3A_281, %select_n3A_269 : vector<256x1xi1>, vector<256x1xi32>
      %sub3A_294 = arith.constant 1 : i32
      %sub3A_295 = vector.broadcast %sub3A_294 : i32 to vector<256x1xi32>
      %sub3A_296 = arith.subi %add3A_281, %sub3A_295 : vector<256x1xi32>
      %select_n3A_297 = arith.select %ge3A_292, %select_n3A_273, %sub3A_296 : vector<256x1xi1>, vector<256x1xi32>
      %sub3A_298 = arith.subi %select_n3A_297, %select_n3A_293 : vector<256x1xi32>
      %add3A_299 = arith.constant 1 : i32
      %add3A_300 = vector.broadcast %add3A_299 : i32 to vector<256x1xi32>
      %add3A_301 = arith.addi %sub3A_298, %add3A_300 : vector<256x1xi32>
      %shift_right_arithmetic3A_302 = arith.constant 1 : i32
      %shift_right_arithmetic3A_303 = vector.broadcast %shift_right_arithmetic3A_302 : i32 to vector<256x1xi32>
      %shift_right_arithmetic3A_304 = arith.shrsi %add3A_301, %shift_right_arithmetic3A_303 : vector<256x1xi32>
      %add3A_305 = arith.addi %select_n3A_293, %shift_right_arithmetic3A_304 : vector<256x1xi32>
      %ge3A_306 = vector.broadcast %add3A_305 : vector<256x1xi32> to vector<256x2048xi32>
      %ge3A_307 = arith.cmpi sge, %bitcast_convert_type3A, %ge3A_306 : vector<256x2048xi32>
      %convert_element_type3A_308 = arith.extui %ge3A_307 : vector<256x2048xi1> to vector<256x2048xi32>
      %convert_element_type3A_309 = arith.sitofp %convert_element_type3A_308 : vector<256x2048xi32> to vector<256x2048xf32>
      %convert_element_type3A_310 = arith.truncf %convert_element_type3A_309 : vector<256x2048xf32> to vector<256x2048xbf16>
      %dot_general3A_311 = arith.constant dense<0.000000e+00> : vector<256x8xf32>
      %dot_general3A_312 = tpu.matmul %convert_element_type3A_310, %broadcast_in_dim3A_35, %dot_general3A_311 {dimension_numbers = #tpu.dot_dimension_numbers<[1], [0], [0], [1], [0, 0, 1, 1], [], []>, transpose_lhs_hint = false} : vector<256x2048xbf16>, vector<2048x8xbf16>, vector<256x8xf32> -> vector<256x8xf32>
      %slice3A_313 = vector.extract_strided_slice %dot_general3A_312 {offsets = [0, 0], sizes = [256, 1], strides = [1, 1]} : vector<256x8xf32> to vector<256x1xf32>
      %ge3A_314 = arith.constant 2.560000e+02 : f32
      %ge3A_315 = vector.broadcast %ge3A_314 : f32 to vector<256x1xf32>
      %ge3A_316 = arith.cmpf oge, %slice3A_313, %ge3A_315 : vector<256x1xf32>
      %select_n3A_317 = arith.select %ge3A_316, %add3A_305, %select_n3A_293 : vector<256x1xi1>, vector<256x1xi32>
      %sub3A_318 = arith.constant 1 : i32
      %sub3A_319 = vector.broadcast %sub3A_318 : i32 to vector<256x1xi32>
      %sub3A_320 = arith.subi %add3A_305, %sub3A_319 : vector<256x1xi32>
      %select_n3A_321 = arith.select %ge3A_316, %select_n3A_297, %sub3A_320 : vector<256x1xi1>, vector<256x1xi32>
      %sub3A_322 = arith.subi %select_n3A_321, %select_n3A_317 : vector<256x1xi32>
      %add3A_323 = arith.constant 1 : i32
      %add3A_324 = vector.broadcast %add3A_323 : i32 to vector<256x1xi32>
      %add3A_325 = arith.addi %sub3A_322, %add3A_324 : vector<256x1xi32>
      %shift_right_arithmetic3A_326 = arith.constant 1 : i32
      %shift_right_arithmetic3A_327 = vector.broadcast %shift_right_arithmetic3A_326 : i32 to vector<256x1xi32>
      %shift_right_arithmetic3A_328 = arith.shrsi %add3A_325, %shift_right_arithmetic3A_327 : vector<256x1xi32>
      %add3A_329 = arith.addi %select_n3A_317, %shift_right_arithmetic3A_328 : vector<256x1xi32>
      %ge3A_330 = vector.broadcast %add3A_329 : vector<256x1xi32> to vector<256x2048xi32>
      %ge3A_331 = arith.cmpi sge, %bitcast_convert_type3A, %ge3A_330 : vector<256x2048xi32>
      %convert_element_type3A_332 = arith.extui %ge3A_331 : vector<256x2048xi1> to vector<256x2048xi32>
      %convert_element_type3A_333 = arith.sitofp %convert_element_type3A_332 : vector<256x2048xi32> to vector<256x2048xf32>
      %convert_element_type3A_334 = arith.truncf %convert_element_type3A_333 : vector<256x2048xf32> to vector<256x2048xbf16>
      %dot_general3A_335 = arith.constant dense<0.000000e+00> : vector<256x8xf32>
      %dot_general3A_336 = tpu.matmul %convert_element_type3A_334, %broadcast_in_dim3A_35, %dot_general3A_335 {dimension_numbers = #tpu.dot_dimension_numbers<[1], [0], [0], [1], [0, 0, 1, 1], [], []>, transpose_lhs_hint = false} : vector<256x2048xbf16>, vector<2048x8xbf16>, vector<256x8xf32> -> vector<256x8xf32>
      %slice3A_337 = vector.extract_strided_slice %dot_general3A_336 {offsets = [0, 0], sizes = [256, 1], strides = [1, 1]} : vector<256x8xf32> to vector<256x1xf32>
      %ge3A_338 = arith.constant 2.560000e+02 : f32
      %ge3A_339 = vector.broadcast %ge3A_338 : f32 to vector<256x1xf32>
      %ge3A_340 = arith.cmpf oge, %slice3A_337, %ge3A_339 : vector<256x1xf32>
      %select_n3A_341 = arith.select %ge3A_340, %add3A_329, %select_n3A_317 : vector<256x1xi1>, vector<256x1xi32>
      %sub3A_342 = arith.constant 1 : i32
      %sub3A_343 = vector.broadcast %sub3A_342 : i32 to vector<256x1xi32>
      %sub3A_344 = arith.subi %add3A_329, %sub3A_343 : vector<256x1xi32>
      %select_n3A_345 = arith.select %ge3A_340, %select_n3A_321, %sub3A_344 : vector<256x1xi1>, vector<256x1xi32>
      %sub3A_346 = arith.subi %select_n3A_345, %select_n3A_341 : vector<256x1xi32>
      %add3A_347 = arith.constant 1 : i32
      %add3A_348 = vector.broadcast %add3A_347 : i32 to vector<256x1xi32>
      %add3A_349 = arith.addi %sub3A_346, %add3A_348 : vector<256x1xi32>
      %shift_right_arithmetic3A_350 = arith.constant 1 : i32
      %shift_right_arithmetic3A_351 = vector.broadcast %shift_right_arithmetic3A_350 : i32 to vector<256x1xi32>
      %shift_right_arithmetic3A_352 = arith.shrsi %add3A_349, %shift_right_arithmetic3A_351 : vector<256x1xi32>
      %add3A_353 = arith.addi %select_n3A_341, %shift_right_arithmetic3A_352 : vector<256x1xi32>
      %ge3A_354 = vector.broadcast %add3A_353 : vector<256x1xi32> to vector<256x2048xi32>
      %ge3A_355 = arith.cmpi sge, %bitcast_convert_type3A, %ge3A_354 : vector<256x2048xi32>
      %convert_element_type3A_356 = arith.extui %ge3A_355 : vector<256x2048xi1> to vector<256x2048xi32>
      %convert_element_type3A_357 = arith.sitofp %convert_element_type3A_356 : vector<256x2048xi32> to vector<256x2048xf32>
      %convert_element_type3A_358 = arith.truncf %convert_element_type3A_357 : vector<256x2048xf32> to vector<256x2048xbf16>
      %dot_general3A_359 = arith.constant dense<0.000000e+00> : vector<256x8xf32>
      %dot_general3A_360 = tpu.matmul %convert_element_type3A_358, %broadcast_in_dim3A_35, %dot_general3A_359 {dimension_numbers = #tpu.dot_dimension_numbers<[1], [0], [0], [1], [0, 0, 1, 1], [], []>, transpose_lhs_hint = false} : vector<256x2048xbf16>, vector<2048x8xbf16>, vector<256x8xf32> -> vector<256x8xf32>
      %slice3A_361 = vector.extract_strided_slice %dot_general3A_360 {offsets = [0, 0], sizes = [256, 1], strides = [1, 1]} : vector<256x8xf32> to vector<256x1xf32>
      %ge3A_362 = arith.constant 2.560000e+02 : f32
      %ge3A_363 = vector.broadcast %ge3A_362 : f32 to vector<256x1xf32>
      %ge3A_364 = arith.cmpf oge, %slice3A_361, %ge3A_363 : vector<256x1xf32>
      %select_n3A_365 = arith.select %ge3A_364, %add3A_353, %select_n3A_341 : vector<256x1xi1>, vector<256x1xi32>
      %sub3A_366 = arith.constant 1 : i32
      %sub3A_367 = vector.broadcast %sub3A_366 : i32 to vector<256x1xi32>
      %sub3A_368 = arith.subi %add3A_353, %sub3A_367 : vector<256x1xi32>
      %select_n3A_369 = arith.select %ge3A_364, %select_n3A_345, %sub3A_368 : vector<256x1xi1>, vector<256x1xi32>
      %sub3A_370 = arith.subi %select_n3A_369, %select_n3A_365 : vector<256x1xi32>
      %add3A_371 = arith.constant 1 : i32
      %add3A_372 = vector.broadcast %add3A_371 : i32 to vector<256x1xi32>
      %add3A_373 = arith.addi %sub3A_370, %add3A_372 : vector<256x1xi32>
      %shift_right_arithmetic3A_374 = arith.constant 1 : i32
      %shift_right_arithmetic3A_375 = vector.broadcast %shift_right_arithmetic3A_374 : i32 to vector<256x1xi32>
      %shift_right_arithmetic3A_376 = arith.shrsi %add3A_373, %shift_right_arithmetic3A_375 : vector<256x1xi32>
      %add3A_377 = arith.addi %select_n3A_365, %shift_right_arithmetic3A_376 : vector<256x1xi32>
      %ge3A_378 = vector.broadcast %add3A_377 : vector<256x1xi32> to vector<256x2048xi32>
      %ge3A_379 = arith.cmpi sge, %bitcast_convert_type3A, %ge3A_378 : vector<256x2048xi32>
      %convert_element_type3A_380 = arith.extui %ge3A_379 : vector<256x2048xi1> to vector<256x2048xi32>
      %convert_element_type3A_381 = arith.sitofp %convert_element_type3A_380 : vector<256x2048xi32> to vector<256x2048xf32>
      %convert_element_type3A_382 = arith.truncf %convert_element_type3A_381 : vector<256x2048xf32> to vector<256x2048xbf16>
      %dot_general3A_383 = arith.constant dense<0.000000e+00> : vector<256x8xf32>
      %dot_general3A_384 = tpu.matmul %convert_element_type3A_382, %broadcast_in_dim3A_35, %dot_general3A_383 {dimension_numbers = #tpu.dot_dimension_numbers<[1], [0], [0], [1], [0, 0, 1, 1], [], []>, transpose_lhs_hint = false} : vector<256x2048xbf16>, vector<2048x8xbf16>, vector<256x8xf32> -> vector<256x8xf32>
      %slice3A_385 = vector.extract_strided_slice %dot_general3A_384 {offsets = [0, 0], sizes = [256, 1], strides = [1, 1]} : vector<256x8xf32> to vector<256x1xf32>
      %ge3A_386 = arith.constant 2.560000e+02 : f32
      %ge3A_387 = vector.broadcast %ge3A_386 : f32 to vector<256x1xf32>
      %ge3A_388 = arith.cmpf oge, %slice3A_385, %ge3A_387 : vector<256x1xf32>
      %select_n3A_389 = arith.select %ge3A_388, %add3A_377, %select_n3A_365 : vector<256x1xi1>, vector<256x1xi32>
      %sub3A_390 = arith.constant 1 : i32
      %sub3A_391 = vector.broadcast %sub3A_390 : i32 to vector<256x1xi32>
      %sub3A_392 = arith.subi %add3A_377, %sub3A_391 : vector<256x1xi32>
      %select_n3A_393 = arith.select %ge3A_388, %select_n3A_369, %sub3A_392 : vector<256x1xi1>, vector<256x1xi32>
      %sub3A_394 = arith.subi %select_n3A_393, %select_n3A_389 : vector<256x1xi32>
      %add3A_395 = arith.constant 1 : i32
      %add3A_396 = vector.broadcast %add3A_395 : i32 to vector<256x1xi32>
      %add3A_397 = arith.addi %sub3A_394, %add3A_396 : vector<256x1xi32>
      %shift_right_arithmetic3A_398 = arith.constant 1 : i32
      %shift_right_arithmetic3A_399 = vector.broadcast %shift_right_arithmetic3A_398 : i32 to vector<256x1xi32>
      %shift_right_arithmetic3A_400 = arith.shrsi %add3A_397, %shift_right_arithmetic3A_399 : vector<256x1xi32>
      %add3A_401 = arith.addi %select_n3A_389, %shift_right_arithmetic3A_400 : vector<256x1xi32>
      %ge3A_402 = vector.broadcast %add3A_401 : vector<256x1xi32> to vector<256x2048xi32>
      %ge3A_403 = arith.cmpi sge, %bitcast_convert_type3A, %ge3A_402 : vector<256x2048xi32>
      %convert_element_type3A_404 = arith.extui %ge3A_403 : vector<256x2048xi1> to vector<256x2048xi32>
      %convert_element_type3A_405 = arith.sitofp %convert_element_type3A_404 : vector<256x2048xi32> to vector<256x2048xf32>
      %convert_element_type3A_406 = arith.truncf %convert_element_type3A_405 : vector<256x2048xf32> to vector<256x2048xbf16>
      %dot_general3A_407 = arith.constant dense<0.000000e+00> : vector<256x8xf32>
      %dot_general3A_408 = tpu.matmul %convert_element_type3A_406, %broadcast_in_dim3A_35, %dot_general3A_407 {dimension_numbers = #tpu.dot_dimension_numbers<[1], [0], [0], [1], [0, 0, 1, 1], [], []>, transpose_lhs_hint = false} : vector<256x2048xbf16>, vector<2048x8xbf16>, vector<256x8xf32> -> vector<256x8xf32>
      %slice3A_409 = vector.extract_strided_slice %dot_general3A_408 {offsets = [0, 0], sizes = [256, 1], strides = [1, 1]} : vector<256x8xf32> to vector<256x1xf32>
      %ge3A_410 = arith.constant 2.560000e+02 : f32
      %ge3A_411 = vector.broadcast %ge3A_410 : f32 to vector<256x1xf32>
      %ge3A_412 = arith.cmpf oge, %slice3A_409, %ge3A_411 : vector<256x1xf32>
      %select_n3A_413 = arith.select %ge3A_412, %add3A_401, %select_n3A_389 : vector<256x1xi1>, vector<256x1xi32>
      %sub3A_414 = arith.constant 1 : i32
      %sub3A_415 = vector.broadcast %sub3A_414 : i32 to vector<256x1xi32>
      %sub3A_416 = arith.subi %add3A_401, %sub3A_415 : vector<256x1xi32>
      %select_n3A_417 = arith.select %ge3A_412, %select_n3A_393, %sub3A_416 : vector<256x1xi1>, vector<256x1xi32>
      %sub3A_418 = arith.subi %select_n3A_417, %select_n3A_413 : vector<256x1xi32>
      %add3A_419 = arith.constant 1 : i32
      %add3A_420 = vector.broadcast %add3A_419 : i32 to vector<256x1xi32>
      %add3A_421 = arith.addi %sub3A_418, %add3A_420 : vector<256x1xi32>
      %shift_right_arithmetic3A_422 = arith.constant 1 : i32
      %shift_right_arithmetic3A_423 = vector.broadcast %shift_right_arithmetic3A_422 : i32 to vector<256x1xi32>
      %shift_right_arithmetic3A_424 = arith.shrsi %add3A_421, %shift_right_arithmetic3A_423 : vector<256x1xi32>
      %add3A_425 = arith.addi %select_n3A_413, %shift_right_arithmetic3A_424 : vector<256x1xi32>
      %ge3A_426 = vector.broadcast %add3A_425 : vector<256x1xi32> to vector<256x2048xi32>
      %ge3A_427 = arith.cmpi sge, %bitcast_convert_type3A, %ge3A_426 : vector<256x2048xi32>
      %convert_element_type3A_428 = arith.extui %ge3A_427 : vector<256x2048xi1> to vector<256x2048xi32>
      %convert_element_type3A_429 = arith.sitofp %convert_element_type3A_428 : vector<256x2048xi32> to vector<256x2048xf32>
      %convert_element_type3A_430 = arith.truncf %convert_element_type3A_429 : vector<256x2048xf32> to vector<256x2048xbf16>
      %dot_general3A_431 = arith.constant dense<0.000000e+00> : vector<256x8xf32>
      %dot_general3A_432 = tpu.matmul %convert_element_type3A_430, %broadcast_in_dim3A_35, %dot_general3A_431 {dimension_numbers = #tpu.dot_dimension_numbers<[1], [0], [0], [1], [0, 0, 1, 1], [], []>, transpose_lhs_hint = false} : vector<256x2048xbf16>, vector<2048x8xbf16>, vector<256x8xf32> -> vector<256x8xf32>
      %slice3A_433 = vector.extract_strided_slice %dot_general3A_432 {offsets = [0, 0], sizes = [256, 1], strides = [1, 1]} : vector<256x8xf32> to vector<256x1xf32>
      %ge3A_434 = arith.constant 2.560000e+02 : f32
      %ge3A_435 = vector.broadcast %ge3A_434 : f32 to vector<256x1xf32>
      %ge3A_436 = arith.cmpf oge, %slice3A_433, %ge3A_435 : vector<256x1xf32>
      %select_n3A_437 = arith.select %ge3A_436, %add3A_425, %select_n3A_413 : vector<256x1xi1>, vector<256x1xi32>
      %sub3A_438 = arith.constant 1 : i32
      %sub3A_439 = vector.broadcast %sub3A_438 : i32 to vector<256x1xi32>
      %sub3A_440 = arith.subi %add3A_425, %sub3A_439 : vector<256x1xi32>
      %select_n3A_441 = arith.select %ge3A_436, %select_n3A_417, %sub3A_440 : vector<256x1xi1>, vector<256x1xi32>
      %sub3A_442 = arith.subi %select_n3A_441, %select_n3A_437 : vector<256x1xi32>
      %add3A_443 = arith.constant 1 : i32
      %add3A_444 = vector.broadcast %add3A_443 : i32 to vector<256x1xi32>
      %add3A_445 = arith.addi %sub3A_442, %add3A_444 : vector<256x1xi32>
      %shift_right_arithmetic3A_446 = arith.constant 1 : i32
      %shift_right_arithmetic3A_447 = vector.broadcast %shift_right_arithmetic3A_446 : i32 to vector<256x1xi32>
      %shift_right_arithmetic3A_448 = arith.shrsi %add3A_445, %shift_right_arithmetic3A_447 : vector<256x1xi32>
      %add3A_449 = arith.addi %select_n3A_437, %shift_right_arithmetic3A_448 : vector<256x1xi32>
      %ge3A_450 = vector.broadcast %add3A_449 : vector<256x1xi32> to vector<256x2048xi32>
      %ge3A_451 = arith.cmpi sge, %bitcast_convert_type3A, %ge3A_450 : vector<256x2048xi32>
      %convert_element_type3A_452 = arith.extui %ge3A_451 : vector<256x2048xi1> to vector<256x2048xi32>
      %convert_element_type3A_453 = arith.sitofp %convert_element_type3A_452 : vector<256x2048xi32> to vector<256x2048xf32>
      %convert_element_type3A_454 = arith.truncf %convert_element_type3A_453 : vector<256x2048xf32> to vector<256x2048xbf16>
      %dot_general3A_455 = arith.constant dense<0.000000e+00> : vector<256x8xf32>
      %dot_general3A_456 = tpu.matmul %convert_element_type3A_454, %broadcast_in_dim3A_35, %dot_general3A_455 {dimension_numbers = #tpu.dot_dimension_numbers<[1], [0], [0], [1], [0, 0, 1, 1], [], []>, transpose_lhs_hint = false} : vector<256x2048xbf16>, vector<2048x8xbf16>, vector<256x8xf32> -> vector<256x8xf32>
      %slice3A_457 = vector.extract_strided_slice %dot_general3A_456 {offsets = [0, 0], sizes = [256, 1], strides = [1, 1]} : vector<256x8xf32> to vector<256x1xf32>
      %ge3A_458 = arith.constant 2.560000e+02 : f32
      %ge3A_459 = vector.broadcast %ge3A_458 : f32 to vector<256x1xf32>
      %ge3A_460 = arith.cmpf oge, %slice3A_457, %ge3A_459 : vector<256x1xf32>
      %select_n3A_461 = arith.select %ge3A_460, %add3A_449, %select_n3A_437 : vector<256x1xi1>, vector<256x1xi32>
      %sub3A_462 = arith.constant 1 : i32
      %sub3A_463 = vector.broadcast %sub3A_462 : i32 to vector<256x1xi32>
      %sub3A_464 = arith.subi %add3A_449, %sub3A_463 : vector<256x1xi32>
      %select_n3A_465 = arith.select %ge3A_460, %select_n3A_441, %sub3A_464 : vector<256x1xi1>, vector<256x1xi32>
      %sub3A_466 = arith.subi %select_n3A_465, %select_n3A_461 : vector<256x1xi32>
      %add3A_467 = arith.constant 1 : i32
      %add3A_468 = vector.broadcast %add3A_467 : i32 to vector<256x1xi32>
      %add3A_469 = arith.addi %sub3A_466, %add3A_468 : vector<256x1xi32>
      %shift_right_arithmetic3A_470 = arith.constant 1 : i32
      %shift_right_arithmetic3A_471 = vector.broadcast %shift_right_arithmetic3A_470 : i32 to vector<256x1xi32>
      %shift_right_arithmetic3A_472 = arith.shrsi %add3A_469, %shift_right_arithmetic3A_471 : vector<256x1xi32>
      %add3A_473 = arith.addi %select_n3A_461, %shift_right_arithmetic3A_472 : vector<256x1xi32>
      %ge3A_474 = vector.broadcast %add3A_473 : vector<256x1xi32> to vector<256x2048xi32>
      %ge3A_475 = arith.cmpi sge, %bitcast_convert_type3A, %ge3A_474 : vector<256x2048xi32>
      %convert_element_type3A_476 = arith.extui %ge3A_475 : vector<256x2048xi1> to vector<256x2048xi32>
      %convert_element_type3A_477 = arith.sitofp %convert_element_type3A_476 : vector<256x2048xi32> to vector<256x2048xf32>
      %convert_element_type3A_478 = arith.truncf %convert_element_type3A_477 : vector<256x2048xf32> to vector<256x2048xbf16>
      %dot_general3A_479 = arith.constant dense<0.000000e+00> : vector<256x8xf32>
      %dot_general3A_480 = tpu.matmul %convert_element_type3A_478, %broadcast_in_dim3A_35, %dot_general3A_479 {dimension_numbers = #tpu.dot_dimension_numbers<[1], [0], [0], [1], [0, 0, 1, 1], [], []>, transpose_lhs_hint = false} : vector<256x2048xbf16>, vector<2048x8xbf16>, vector<256x8xf32> -> vector<256x8xf32>
      %slice3A_481 = vector.extract_strided_slice %dot_general3A_480 {offsets = [0, 0], sizes = [256, 1], strides = [1, 1]} : vector<256x8xf32> to vector<256x1xf32>
      %ge3A_482 = arith.constant 2.560000e+02 : f32
      %ge3A_483 = vector.broadcast %ge3A_482 : f32 to vector<256x1xf32>
      %ge3A_484 = arith.cmpf oge, %slice3A_481, %ge3A_483 : vector<256x1xf32>
      %select_n3A_485 = arith.select %ge3A_484, %add3A_473, %select_n3A_461 : vector<256x1xi1>, vector<256x1xi32>
      %sub3A_486 = arith.constant 1 : i32
      %sub3A_487 = vector.broadcast %sub3A_486 : i32 to vector<256x1xi32>
      %sub3A_488 = arith.subi %add3A_473, %sub3A_487 : vector<256x1xi32>
      %select_n3A_489 = arith.select %ge3A_484, %select_n3A_465, %sub3A_488 : vector<256x1xi1>, vector<256x1xi32>
      %sub3A_490 = arith.subi %select_n3A_489, %select_n3A_485 : vector<256x1xi32>
      %add3A_491 = arith.constant 1 : i32
      %add3A_492 = vector.broadcast %add3A_491 : i32 to vector<256x1xi32>
      %add3A_493 = arith.addi %sub3A_490, %add3A_492 : vector<256x1xi32>
      %shift_right_arithmetic3A_494 = arith.constant 1 : i32
      %shift_right_arithmetic3A_495 = vector.broadcast %shift_right_arithmetic3A_494 : i32 to vector<256x1xi32>
      %shift_right_arithmetic3A_496 = arith.shrsi %add3A_493, %shift_right_arithmetic3A_495 : vector<256x1xi32>
      %add3A_497 = arith.addi %select_n3A_485, %shift_right_arithmetic3A_496 : vector<256x1xi32>
      %ge3A_498 = vector.broadcast %add3A_497 : vector<256x1xi32> to vector<256x2048xi32>
      %ge3A_499 = arith.cmpi sge, %bitcast_convert_type3A, %ge3A_498 : vector<256x2048xi32>
      %convert_element_type3A_500 = arith.extui %ge3A_499 : vector<256x2048xi1> to vector<256x2048xi32>
      %convert_element_type3A_501 = arith.sitofp %convert_element_type3A_500 : vector<256x2048xi32> to vector<256x2048xf32>
      %convert_element_type3A_502 = arith.truncf %convert_element_type3A_501 : vector<256x2048xf32> to vector<256x2048xbf16>
      %dot_general3A_503 = arith.constant dense<0.000000e+00> : vector<256x8xf32>
      %dot_general3A_504 = tpu.matmul %convert_element_type3A_502, %broadcast_in_dim3A_35, %dot_general3A_503 {dimension_numbers = #tpu.dot_dimension_numbers<[1], [0], [0], [1], [0, 0, 1, 1], [], []>, transpose_lhs_hint = false} : vector<256x2048xbf16>, vector<2048x8xbf16>, vector<256x8xf32> -> vector<256x8xf32>
      %slice3A_505 = vector.extract_strided_slice %dot_general3A_504 {offsets = [0, 0], sizes = [256, 1], strides = [1, 1]} : vector<256x8xf32> to vector<256x1xf32>
      %ge3A_506 = arith.constant 2.560000e+02 : f32
      %ge3A_507 = vector.broadcast %ge3A_506 : f32 to vector<256x1xf32>
      %ge3A_508 = arith.cmpf oge, %slice3A_505, %ge3A_507 : vector<256x1xf32>
      %select_n3A_509 = arith.select %ge3A_508, %add3A_497, %select_n3A_485 : vector<256x1xi1>, vector<256x1xi32>
      %sub3A_510 = arith.constant 1 : i32
      %sub3A_511 = vector.broadcast %sub3A_510 : i32 to vector<256x1xi32>
      %sub3A_512 = arith.subi %add3A_497, %sub3A_511 : vector<256x1xi32>
      %select_n3A_513 = arith.select %ge3A_508, %select_n3A_489, %sub3A_512 : vector<256x1xi1>, vector<256x1xi32>
      %sub3A_514 = arith.subi %select_n3A_513, %select_n3A_509 : vector<256x1xi32>
      %add3A_515 = arith.constant 1 : i32
      %add3A_516 = vector.broadcast %add3A_515 : i32 to vector<256x1xi32>
      %add3A_517 = arith.addi %sub3A_514, %add3A_516 : vector<256x1xi32>
      %shift_right_arithmetic3A_518 = arith.constant 1 : i32
      %shift_right_arithmetic3A_519 = vector.broadcast %shift_right_arithmetic3A_518 : i32 to vector<256x1xi32>
      %shift_right_arithmetic3A_520 = arith.shrsi %add3A_517, %shift_right_arithmetic3A_519 : vector<256x1xi32>
      %add3A_521 = arith.addi %select_n3A_509, %shift_right_arithmetic3A_520 : vector<256x1xi32>
      %ge3A_522 = vector.broadcast %add3A_521 : vector<256x1xi32> to vector<256x2048xi32>
      %ge3A_523 = arith.cmpi sge, %bitcast_convert_type3A, %ge3A_522 : vector<256x2048xi32>
      %convert_element_type3A_524 = arith.extui %ge3A_523 : vector<256x2048xi1> to vector<256x2048xi32>
      %convert_element_type3A_525 = arith.sitofp %convert_element_type3A_524 : vector<256x2048xi32> to vector<256x2048xf32>
      %convert_element_type3A_526 = arith.truncf %convert_element_type3A_525 : vector<256x2048xf32> to vector<256x2048xbf16>
      %dot_general3A_527 = arith.constant dense<0.000000e+00> : vector<256x8xf32>
      %dot_general3A_528 = tpu.matmul %convert_element_type3A_526, %broadcast_in_dim3A_35, %dot_general3A_527 {dimension_numbers = #tpu.dot_dimension_numbers<[1], [0], [0], [1], [0, 0, 1, 1], [], []>, transpose_lhs_hint = false} : vector<256x2048xbf16>, vector<2048x8xbf16>, vector<256x8xf32> -> vector<256x8xf32>
      %slice3A_529 = vector.extract_strided_slice %dot_general3A_528 {offsets = [0, 0], sizes = [256, 1], strides = [1, 1]} : vector<256x8xf32> to vector<256x1xf32>
      %ge3A_530 = arith.constant 2.560000e+02 : f32
      %ge3A_531 = vector.broadcast %ge3A_530 : f32 to vector<256x1xf32>
      %ge3A_532 = arith.cmpf oge, %slice3A_529, %ge3A_531 : vector<256x1xf32>
      %select_n3A_533 = arith.select %ge3A_532, %add3A_521, %select_n3A_509 : vector<256x1xi1>, vector<256x1xi32>
      %sub3A_534 = arith.constant 1 : i32
      %sub3A_535 = vector.broadcast %sub3A_534 : i32 to vector<256x1xi32>
      %sub3A_536 = arith.subi %add3A_521, %sub3A_535 : vector<256x1xi32>
      %select_n3A_537 = arith.select %ge3A_532, %select_n3A_513, %sub3A_536 : vector<256x1xi1>, vector<256x1xi32>
      %sub3A_538 = arith.subi %select_n3A_537, %select_n3A_533 : vector<256x1xi32>
      %add3A_539 = arith.constant 1 : i32
      %add3A_540 = vector.broadcast %add3A_539 : i32 to vector<256x1xi32>
      %add3A_541 = arith.addi %sub3A_538, %add3A_540 : vector<256x1xi32>
      %shift_right_arithmetic3A_542 = arith.constant 1 : i32
      %shift_right_arithmetic3A_543 = vector.broadcast %shift_right_arithmetic3A_542 : i32 to vector<256x1xi32>
      %shift_right_arithmetic3A_544 = arith.shrsi %add3A_541, %shift_right_arithmetic3A_543 : vector<256x1xi32>
      %add3A_545 = arith.addi %select_n3A_533, %shift_right_arithmetic3A_544 : vector<256x1xi32>
      %ge3A_546 = vector.broadcast %add3A_545 : vector<256x1xi32> to vector<256x2048xi32>
      %ge3A_547 = arith.cmpi sge, %bitcast_convert_type3A, %ge3A_546 : vector<256x2048xi32>
      %convert_element_type3A_548 = arith.extui %ge3A_547 : vector<256x2048xi1> to vector<256x2048xi32>
      %convert_element_type3A_549 = arith.sitofp %convert_element_type3A_548 : vector<256x2048xi32> to vector<256x2048xf32>
      %convert_element_type3A_550 = arith.truncf %convert_element_type3A_549 : vector<256x2048xf32> to vector<256x2048xbf16>
      %dot_general3A_551 = arith.constant dense<0.000000e+00> : vector<256x8xf32>
      %dot_general3A_552 = tpu.matmul %convert_element_type3A_550, %broadcast_in_dim3A_35, %dot_general3A_551 {dimension_numbers = #tpu.dot_dimension_numbers<[1], [0], [0], [1], [0, 0, 1, 1], [], []>, transpose_lhs_hint = false} : vector<256x2048xbf16>, vector<2048x8xbf16>, vector<256x8xf32> -> vector<256x8xf32>
      %slice3A_553 = vector.extract_strided_slice %dot_general3A_552 {offsets = [0, 0], sizes = [256, 1], strides = [1, 1]} : vector<256x8xf32> to vector<256x1xf32>
      %ge3A_554 = arith.constant 2.560000e+02 : f32
      %ge3A_555 = vector.broadcast %ge3A_554 : f32 to vector<256x1xf32>
      %ge3A_556 = arith.cmpf oge, %slice3A_553, %ge3A_555 : vector<256x1xf32>
      %select_n3A_557 = arith.select %ge3A_556, %add3A_545, %select_n3A_533 : vector<256x1xi1>, vector<256x1xi32>
      %sub3A_558 = arith.constant 1 : i32
      %sub3A_559 = vector.broadcast %sub3A_558 : i32 to vector<256x1xi32>
      %sub3A_560 = arith.subi %add3A_545, %sub3A_559 : vector<256x1xi32>
      %select_n3A_561 = arith.select %ge3A_556, %select_n3A_537, %sub3A_560 : vector<256x1xi1>, vector<256x1xi32>
      %sub3A_562 = arith.subi %select_n3A_561, %select_n3A_557 : vector<256x1xi32>
      %add3A_563 = arith.constant 1 : i32
      %add3A_564 = vector.broadcast %add3A_563 : i32 to vector<256x1xi32>
      %add3A_565 = arith.addi %sub3A_562, %add3A_564 : vector<256x1xi32>
      %shift_right_arithmetic3A_566 = arith.constant 1 : i32
      %shift_right_arithmetic3A_567 = vector.broadcast %shift_right_arithmetic3A_566 : i32 to vector<256x1xi32>
      %shift_right_arithmetic3A_568 = arith.shrsi %add3A_565, %shift_right_arithmetic3A_567 : vector<256x1xi32>
      %add3A_569 = arith.addi %select_n3A_557, %shift_right_arithmetic3A_568 : vector<256x1xi32>
      %ge3A_570 = vector.broadcast %add3A_569 : vector<256x1xi32> to vector<256x2048xi32>
      %ge3A_571 = arith.cmpi sge, %bitcast_convert_type3A, %ge3A_570 : vector<256x2048xi32>
      %convert_element_type3A_572 = arith.extui %ge3A_571 : vector<256x2048xi1> to vector<256x2048xi32>
      %convert_element_type3A_573 = arith.sitofp %convert_element_type3A_572 : vector<256x2048xi32> to vector<256x2048xf32>
      %convert_element_type3A_574 = arith.truncf %convert_element_type3A_573 : vector<256x2048xf32> to vector<256x2048xbf16>
      %dot_general3A_575 = arith.constant dense<0.000000e+00> : vector<256x8xf32>
      %dot_general3A_576 = tpu.matmul %convert_element_type3A_574, %broadcast_in_dim3A_35, %dot_general3A_575 {dimension_numbers = #tpu.dot_dimension_numbers<[1], [0], [0], [1], [0, 0, 1, 1], [], []>, transpose_lhs_hint = false} : vector<256x2048xbf16>, vector<2048x8xbf16>, vector<256x8xf32> -> vector<256x8xf32>
      %slice3A_577 = vector.extract_strided_slice %dot_general3A_576 {offsets = [0, 0], sizes = [256, 1], strides = [1, 1]} : vector<256x8xf32> to vector<256x1xf32>
      %ge3A_578 = arith.constant 2.560000e+02 : f32
      %ge3A_579 = vector.broadcast %ge3A_578 : f32 to vector<256x1xf32>
      %ge3A_580 = arith.cmpf oge, %slice3A_577, %ge3A_579 : vector<256x1xf32>
      %select_n3A_581 = arith.select %ge3A_580, %add3A_569, %select_n3A_557 : vector<256x1xi1>, vector<256x1xi32>
      %sub3A_582 = arith.constant 1 : i32
      %sub3A_583 = vector.broadcast %sub3A_582 : i32 to vector<256x1xi32>
      %sub3A_584 = arith.subi %add3A_569, %sub3A_583 : vector<256x1xi32>
      %select_n3A_585 = arith.select %ge3A_580, %select_n3A_561, %sub3A_584 : vector<256x1xi1>, vector<256x1xi32>
      %sub3A_586 = arith.subi %select_n3A_585, %select_n3A_581 : vector<256x1xi32>
      %add3A_587 = arith.constant 1 : i32
      %add3A_588 = vector.broadcast %add3A_587 : i32 to vector<256x1xi32>
      %add3A_589 = arith.addi %sub3A_586, %add3A_588 : vector<256x1xi32>
      %shift_right_arithmetic3A_590 = arith.constant 1 : i32
      %shift_right_arithmetic3A_591 = vector.broadcast %shift_right_arithmetic3A_590 : i32 to vector<256x1xi32>
      %shift_right_arithmetic3A_592 = arith.shrsi %add3A_589, %shift_right_arithmetic3A_591 : vector<256x1xi32>
      %add3A_593 = arith.addi %select_n3A_581, %shift_right_arithmetic3A_592 : vector<256x1xi32>
      %ge3A_594 = vector.broadcast %add3A_593 : vector<256x1xi32> to vector<256x2048xi32>
      %ge3A_595 = arith.cmpi sge, %bitcast_convert_type3A, %ge3A_594 : vector<256x2048xi32>
      %convert_element_type3A_596 = arith.extui %ge3A_595 : vector<256x2048xi1> to vector<256x2048xi32>
      %convert_element_type3A_597 = arith.sitofp %convert_element_type3A_596 : vector<256x2048xi32> to vector<256x2048xf32>
      %convert_element_type3A_598 = arith.truncf %convert_element_type3A_597 : vector<256x2048xf32> to vector<256x2048xbf16>
      %dot_general3A_599 = arith.constant dense<0.000000e+00> : vector<256x8xf32>
      %dot_general3A_600 = tpu.matmul %convert_element_type3A_598, %broadcast_in_dim3A_35, %dot_general3A_599 {dimension_numbers = #tpu.dot_dimension_numbers<[1], [0], [0], [1], [0, 0, 1, 1], [], []>, transpose_lhs_hint = false} : vector<256x2048xbf16>, vector<2048x8xbf16>, vector<256x8xf32> -> vector<256x8xf32>
      %slice3A_601 = vector.extract_strided_slice %dot_general3A_600 {offsets = [0, 0], sizes = [256, 1], strides = [1, 1]} : vector<256x8xf32> to vector<256x1xf32>
      %ge3A_602 = arith.constant 2.560000e+02 : f32
      %ge3A_603 = vector.broadcast %ge3A_602 : f32 to vector<256x1xf32>
      %ge3A_604 = arith.cmpf oge, %slice3A_601, %ge3A_603 : vector<256x1xf32>
      %select_n3A_605 = arith.select %ge3A_604, %add3A_593, %select_n3A_581 : vector<256x1xi1>, vector<256x1xi32>
      %sub3A_606 = arith.constant 1 : i32
      %sub3A_607 = vector.broadcast %sub3A_606 : i32 to vector<256x1xi32>
      %sub3A_608 = arith.subi %add3A_593, %sub3A_607 : vector<256x1xi32>
      %select_n3A_609 = arith.select %ge3A_604, %select_n3A_585, %sub3A_608 : vector<256x1xi1>, vector<256x1xi32>
      %sub3A_610 = arith.subi %select_n3A_609, %select_n3A_605 : vector<256x1xi32>
      %add3A_611 = arith.constant 1 : i32
      %add3A_612 = vector.broadcast %add3A_611 : i32 to vector<256x1xi32>
      %add3A_613 = arith.addi %sub3A_610, %add3A_612 : vector<256x1xi32>
      %shift_right_arithmetic3A_614 = arith.constant 1 : i32
      %shift_right_arithmetic3A_615 = vector.broadcast %shift_right_arithmetic3A_614 : i32 to vector<256x1xi32>
      %shift_right_arithmetic3A_616 = arith.shrsi %add3A_613, %shift_right_arithmetic3A_615 : vector<256x1xi32>
      %add3A_617 = arith.addi %select_n3A_605, %shift_right_arithmetic3A_616 : vector<256x1xi32>
      %ge3A_618 = vector.broadcast %add3A_617 : vector<256x1xi32> to vector<256x2048xi32>
      %ge3A_619 = arith.cmpi sge, %bitcast_convert_type3A, %ge3A_618 : vector<256x2048xi32>
      %convert_element_type3A_620 = arith.extui %ge3A_619 : vector<256x2048xi1> to vector<256x2048xi32>
      %convert_element_type3A_621 = arith.sitofp %convert_element_type3A_620 : vector<256x2048xi32> to vector<256x2048xf32>
      %convert_element_type3A_622 = arith.truncf %convert_element_type3A_621 : vector<256x2048xf32> to vector<256x2048xbf16>
      %dot_general3A_623 = arith.constant dense<0.000000e+00> : vector<256x8xf32>
      %dot_general3A_624 = tpu.matmul %convert_element_type3A_622, %broadcast_in_dim3A_35, %dot_general3A_623 {dimension_numbers = #tpu.dot_dimension_numbers<[1], [0], [0], [1], [0, 0, 1, 1], [], []>, transpose_lhs_hint = false} : vector<256x2048xbf16>, vector<2048x8xbf16>, vector<256x8xf32> -> vector<256x8xf32>
      %slice3A_625 = vector.extract_strided_slice %dot_general3A_624 {offsets = [0, 0], sizes = [256, 1], strides = [1, 1]} : vector<256x8xf32> to vector<256x1xf32>
      %ge3A_626 = arith.constant 2.560000e+02 : f32
      %ge3A_627 = vector.broadcast %ge3A_626 : f32 to vector<256x1xf32>
      %ge3A_628 = arith.cmpf oge, %slice3A_625, %ge3A_627 : vector<256x1xf32>
      %select_n3A_629 = arith.select %ge3A_628, %add3A_617, %select_n3A_605 : vector<256x1xi1>, vector<256x1xi32>
      %sub3A_630 = arith.constant 1 : i32
      %sub3A_631 = vector.broadcast %sub3A_630 : i32 to vector<256x1xi32>
      %sub3A_632 = arith.subi %add3A_617, %sub3A_631 : vector<256x1xi32>
      %select_n3A_633 = arith.select %ge3A_628, %select_n3A_609, %sub3A_632 : vector<256x1xi1>, vector<256x1xi32>
      %sub3A_634 = arith.subi %select_n3A_633, %select_n3A_629 : vector<256x1xi32>
      %add3A_635 = arith.constant 1 : i32
      %add3A_636 = vector.broadcast %add3A_635 : i32 to vector<256x1xi32>
      %add3A_637 = arith.addi %sub3A_634, %add3A_636 : vector<256x1xi32>
      %shift_right_arithmetic3A_638 = arith.constant 1 : i32
      %shift_right_arithmetic3A_639 = vector.broadcast %shift_right_arithmetic3A_638 : i32 to vector<256x1xi32>
      %shift_right_arithmetic3A_640 = arith.shrsi %add3A_637, %shift_right_arithmetic3A_639 : vector<256x1xi32>
      %add3A_641 = arith.addi %select_n3A_629, %shift_right_arithmetic3A_640 : vector<256x1xi32>
      %ge3A_642 = vector.broadcast %add3A_641 : vector<256x1xi32> to vector<256x2048xi32>
      %ge3A_643 = arith.cmpi sge, %bitcast_convert_type3A, %ge3A_642 : vector<256x2048xi32>
      %convert_element_type3A_644 = arith.extui %ge3A_643 : vector<256x2048xi1> to vector<256x2048xi32>
      %convert_element_type3A_645 = arith.sitofp %convert_element_type3A_644 : vector<256x2048xi32> to vector<256x2048xf32>
      %convert_element_type3A_646 = arith.truncf %convert_element_type3A_645 : vector<256x2048xf32> to vector<256x2048xbf16>
      %dot_general3A_647 = arith.constant dense<0.000000e+00> : vector<256x8xf32>
      %dot_general3A_648 = tpu.matmul %convert_element_type3A_646, %broadcast_in_dim3A_35, %dot_general3A_647 {dimension_numbers = #tpu.dot_dimension_numbers<[1], [0], [0], [1], [0, 0, 1, 1], [], []>, transpose_lhs_hint = false} : vector<256x2048xbf16>, vector<2048x8xbf16>, vector<256x8xf32> -> vector<256x8xf32>
      %slice3A_649 = vector.extract_strided_slice %dot_general3A_648 {offsets = [0, 0], sizes = [256, 1], strides = [1, 1]} : vector<256x8xf32> to vector<256x1xf32>
      %ge3A_650 = arith.constant 2.560000e+02 : f32
      %ge3A_651 = vector.broadcast %ge3A_650 : f32 to vector<256x1xf32>
      %ge3A_652 = arith.cmpf oge, %slice3A_649, %ge3A_651 : vector<256x1xf32>
      %select_n3A_653 = arith.select %ge3A_652, %add3A_641, %select_n3A_629 : vector<256x1xi1>, vector<256x1xi32>
      %sub3A_654 = arith.constant 1 : i32
      %sub3A_655 = vector.broadcast %sub3A_654 : i32 to vector<256x1xi32>
      %sub3A_656 = arith.subi %add3A_641, %sub3A_655 : vector<256x1xi32>
      %select_n3A_657 = arith.select %ge3A_652, %select_n3A_633, %sub3A_656 : vector<256x1xi1>, vector<256x1xi32>
      %sub3A_658 = arith.subi %select_n3A_657, %select_n3A_653 : vector<256x1xi32>
      %add3A_659 = arith.constant 1 : i32
      %add3A_660 = vector.broadcast %add3A_659 : i32 to vector<256x1xi32>
      %add3A_661 = arith.addi %sub3A_658, %add3A_660 : vector<256x1xi32>
      %shift_right_arithmetic3A_662 = arith.constant 1 : i32
      %shift_right_arithmetic3A_663 = vector.broadcast %shift_right_arithmetic3A_662 : i32 to vector<256x1xi32>
      %shift_right_arithmetic3A_664 = arith.shrsi %add3A_661, %shift_right_arithmetic3A_663 : vector<256x1xi32>
      %add3A_665 = arith.addi %select_n3A_653, %shift_right_arithmetic3A_664 : vector<256x1xi32>
      %ge3A_666 = vector.broadcast %add3A_665 : vector<256x1xi32> to vector<256x2048xi32>
      %ge3A_667 = arith.cmpi sge, %bitcast_convert_type3A, %ge3A_666 : vector<256x2048xi32>
      %convert_element_type3A_668 = arith.extui %ge3A_667 : vector<256x2048xi1> to vector<256x2048xi32>
      %convert_element_type3A_669 = arith.sitofp %convert_element_type3A_668 : vector<256x2048xi32> to vector<256x2048xf32>
      %convert_element_type3A_670 = arith.truncf %convert_element_type3A_669 : vector<256x2048xf32> to vector<256x2048xbf16>
      %dot_general3A_671 = arith.constant dense<0.000000e+00> : vector<256x8xf32>
      %dot_general3A_672 = tpu.matmul %convert_element_type3A_670, %broadcast_in_dim3A_35, %dot_general3A_671 {dimension_numbers = #tpu.dot_dimension_numbers<[1], [0], [0], [1], [0, 0, 1, 1], [], []>, transpose_lhs_hint = false} : vector<256x2048xbf16>, vector<2048x8xbf16>, vector<256x8xf32> -> vector<256x8xf32>
      %slice3A_673 = vector.extract_strided_slice %dot_general3A_672 {offsets = [0, 0], sizes = [256, 1], strides = [1, 1]} : vector<256x8xf32> to vector<256x1xf32>
      %ge3A_674 = arith.constant 2.560000e+02 : f32
      %ge3A_675 = vector.broadcast %ge3A_674 : f32 to vector<256x1xf32>
      %ge3A_676 = arith.cmpf oge, %slice3A_673, %ge3A_675 : vector<256x1xf32>
      %select_n3A_677 = arith.select %ge3A_676, %add3A_665, %select_n3A_653 : vector<256x1xi1>, vector<256x1xi32>
      %sub3A_678 = arith.constant 1 : i32
      %sub3A_679 = vector.broadcast %sub3A_678 : i32 to vector<256x1xi32>
      %sub3A_680 = arith.subi %add3A_665, %sub3A_679 : vector<256x1xi32>
      %select_n3A_681 = arith.select %ge3A_676, %select_n3A_657, %sub3A_680 : vector<256x1xi1>, vector<256x1xi32>
      %sub3A_682 = arith.subi %select_n3A_681, %select_n3A_677 : vector<256x1xi32>
      %add3A_683 = arith.constant 1 : i32
      %add3A_684 = vector.broadcast %add3A_683 : i32 to vector<256x1xi32>
      %add3A_685 = arith.addi %sub3A_682, %add3A_684 : vector<256x1xi32>
      %shift_right_arithmetic3A_686 = arith.constant 1 : i32
      %shift_right_arithmetic3A_687 = vector.broadcast %shift_right_arithmetic3A_686 : i32 to vector<256x1xi32>
      %shift_right_arithmetic3A_688 = arith.shrsi %add3A_685, %shift_right_arithmetic3A_687 : vector<256x1xi32>
      %add3A_689 = arith.addi %select_n3A_677, %shift_right_arithmetic3A_688 : vector<256x1xi32>
      %ge3A_690 = vector.broadcast %add3A_689 : vector<256x1xi32> to vector<256x2048xi32>
      %ge3A_691 = arith.cmpi sge, %bitcast_convert_type3A, %ge3A_690 : vector<256x2048xi32>
      %convert_element_type3A_692 = arith.extui %ge3A_691 : vector<256x2048xi1> to vector<256x2048xi32>
      %convert_element_type3A_693 = arith.sitofp %convert_element_type3A_692 : vector<256x2048xi32> to vector<256x2048xf32>
      %convert_element_type3A_694 = arith.truncf %convert_element_type3A_693 : vector<256x2048xf32> to vector<256x2048xbf16>
      %dot_general3A_695 = arith.constant dense<0.000000e+00> : vector<256x8xf32>
      %dot_general3A_696 = tpu.matmul %convert_element_type3A_694, %broadcast_in_dim3A_35, %dot_general3A_695 {dimension_numbers = #tpu.dot_dimension_numbers<[1], [0], [0], [1], [0, 0, 1, 1], [], []>, transpose_lhs_hint = false} : vector<256x2048xbf16>, vector<2048x8xbf16>, vector<256x8xf32> -> vector<256x8xf32>
      %slice3A_697 = vector.extract_strided_slice %dot_general3A_696 {offsets = [0, 0], sizes = [256, 1], strides = [1, 1]} : vector<256x8xf32> to vector<256x1xf32>
      %ge3A_698 = arith.constant 2.560000e+02 : f32
      %ge3A_699 = vector.broadcast %ge3A_698 : f32 to vector<256x1xf32>
      %ge3A_700 = arith.cmpf oge, %slice3A_697, %ge3A_699 : vector<256x1xf32>
      %select_n3A_701 = arith.select %ge3A_700, %add3A_689, %select_n3A_677 : vector<256x1xi1>, vector<256x1xi32>
      %sub3A_702 = arith.constant 1 : i32
      %sub3A_703 = vector.broadcast %sub3A_702 : i32 to vector<256x1xi32>
      %sub3A_704 = arith.subi %add3A_689, %sub3A_703 : vector<256x1xi32>
      %select_n3A_705 = arith.select %ge3A_700, %select_n3A_681, %sub3A_704 : vector<256x1xi1>, vector<256x1xi32>
      %sub3A_706 = arith.subi %select_n3A_705, %select_n3A_701 : vector<256x1xi32>
      %add3A_707 = arith.constant 1 : i32
      %add3A_708 = vector.broadcast %add3A_707 : i32 to vector<256x1xi32>
      %add3A_709 = arith.addi %sub3A_706, %add3A_708 : vector<256x1xi32>
      %shift_right_arithmetic3A_710 = arith.constant 1 : i32
      %shift_right_arithmetic3A_711 = vector.broadcast %shift_right_arithmetic3A_710 : i32 to vector<256x1xi32>
      %shift_right_arithmetic3A_712 = arith.shrsi %add3A_709, %shift_right_arithmetic3A_711 : vector<256x1xi32>
      %add3A_713 = arith.addi %select_n3A_701, %shift_right_arithmetic3A_712 : vector<256x1xi32>
      %ge3A_714 = vector.broadcast %add3A_713 : vector<256x1xi32> to vector<256x2048xi32>
      %ge3A_715 = arith.cmpi sge, %bitcast_convert_type3A, %ge3A_714 : vector<256x2048xi32>
      %convert_element_type3A_716 = arith.extui %ge3A_715 : vector<256x2048xi1> to vector<256x2048xi32>
      %convert_element_type3A_717 = arith.sitofp %convert_element_type3A_716 : vector<256x2048xi32> to vector<256x2048xf32>
      %convert_element_type3A_718 = arith.truncf %convert_element_type3A_717 : vector<256x2048xf32> to vector<256x2048xbf16>
      %dot_general3A_719 = arith.constant dense<0.000000e+00> : vector<256x8xf32>
      %dot_general3A_720 = tpu.matmul %convert_element_type3A_718, %broadcast_in_dim3A_35, %dot_general3A_719 {dimension_numbers = #tpu.dot_dimension_numbers<[1], [0], [0], [1], [0, 0, 1, 1], [], []>, transpose_lhs_hint = false} : vector<256x2048xbf16>, vector<2048x8xbf16>, vector<256x8xf32> -> vector<256x8xf32>
      %slice3A_721 = vector.extract_strided_slice %dot_general3A_720 {offsets = [0, 0], sizes = [256, 1], strides = [1, 1]} : vector<256x8xf32> to vector<256x1xf32>
      %ge3A_722 = arith.constant 2.560000e+02 : f32
      %ge3A_723 = vector.broadcast %ge3A_722 : f32 to vector<256x1xf32>
      %ge3A_724 = arith.cmpf oge, %slice3A_721, %ge3A_723 : vector<256x1xf32>
      %select_n3A_725 = arith.select %ge3A_724, %add3A_713, %select_n3A_701 : vector<256x1xi1>, vector<256x1xi32>
      %sub3A_726 = arith.constant 1 : i32
      %sub3A_727 = vector.broadcast %sub3A_726 : i32 to vector<256x1xi32>
      %sub3A_728 = arith.subi %add3A_713, %sub3A_727 : vector<256x1xi32>
      %select_n3A_729 = arith.select %ge3A_724, %select_n3A_705, %sub3A_728 : vector<256x1xi1>, vector<256x1xi32>
      %sub3A_730 = arith.subi %select_n3A_729, %select_n3A_725 : vector<256x1xi32>
      %add3A_731 = arith.constant 1 : i32
      %add3A_732 = vector.broadcast %add3A_731 : i32 to vector<256x1xi32>
      %add3A_733 = arith.addi %sub3A_730, %add3A_732 : vector<256x1xi32>
      %shift_right_arithmetic3A_734 = arith.constant 1 : i32
      %shift_right_arithmetic3A_735 = vector.broadcast %shift_right_arithmetic3A_734 : i32 to vector<256x1xi32>
      %shift_right_arithmetic3A_736 = arith.shrsi %add3A_733, %shift_right_arithmetic3A_735 : vector<256x1xi32>
      %add3A_737 = arith.addi %select_n3A_725, %shift_right_arithmetic3A_736 : vector<256x1xi32>
      %ge3A_738 = vector.broadcast %add3A_737 : vector<256x1xi32> to vector<256x2048xi32>
      %ge3A_739 = arith.cmpi sge, %bitcast_convert_type3A, %ge3A_738 : vector<256x2048xi32>
      %convert_element_type3A_740 = arith.extui %ge3A_739 : vector<256x2048xi1> to vector<256x2048xi32>
      %convert_element_type3A_741 = arith.sitofp %convert_element_type3A_740 : vector<256x2048xi32> to vector<256x2048xf32>
      %convert_element_type3A_742 = arith.truncf %convert_element_type3A_741 : vector<256x2048xf32> to vector<256x2048xbf16>
      %dot_general3A_743 = arith.constant dense<0.000000e+00> : vector<256x8xf32>
      %dot_general3A_744 = tpu.matmul %convert_element_type3A_742, %broadcast_in_dim3A_35, %dot_general3A_743 {dimension_numbers = #tpu.dot_dimension_numbers<[1], [0], [0], [1], [0, 0, 1, 1], [], []>, transpose_lhs_hint = false} : vector<256x2048xbf16>, vector<2048x8xbf16>, vector<256x8xf32> -> vector<256x8xf32>
      %slice3A_745 = vector.extract_strided_slice %dot_general3A_744 {offsets = [0, 0], sizes = [256, 1], strides = [1, 1]} : vector<256x8xf32> to vector<256x1xf32>
      %ge3A_746 = arith.constant 2.560000e+02 : f32
      %ge3A_747 = vector.broadcast %ge3A_746 : f32 to vector<256x1xf32>
      %ge3A_748 = arith.cmpf oge, %slice3A_745, %ge3A_747 : vector<256x1xf32>
      %select_n3A_749 = arith.select %ge3A_748, %add3A_737, %select_n3A_725 : vector<256x1xi1>, vector<256x1xi32>
      %sub3A_750 = arith.constant 1 : i32
      %sub3A_751 = vector.broadcast %sub3A_750 : i32 to vector<256x1xi32>
      %sub3A_752 = arith.subi %add3A_737, %sub3A_751 : vector<256x1xi32>
      %select_n3A_753 = arith.select %ge3A_748, %select_n3A_729, %sub3A_752 : vector<256x1xi1>, vector<256x1xi32>
      %sub3A_754 = arith.subi %select_n3A_753, %select_n3A_749 : vector<256x1xi32>
      %add3A_755 = arith.constant 1 : i32
      %add3A_756 = vector.broadcast %add3A_755 : i32 to vector<256x1xi32>
      %add3A_757 = arith.addi %sub3A_754, %add3A_756 : vector<256x1xi32>
      %shift_right_arithmetic3A_758 = arith.constant 1 : i32
      %shift_right_arithmetic3A_759 = vector.broadcast %shift_right_arithmetic3A_758 : i32 to vector<256x1xi32>
      %shift_right_arithmetic3A_760 = arith.shrsi %add3A_757, %shift_right_arithmetic3A_759 : vector<256x1xi32>
      %add3A_761 = arith.addi %select_n3A_749, %shift_right_arithmetic3A_760 : vector<256x1xi32>
      %ge3A_762 = vector.broadcast %add3A_761 : vector<256x1xi32> to vector<256x2048xi32>
      %ge3A_763 = arith.cmpi sge, %bitcast_convert_type3A, %ge3A_762 : vector<256x2048xi32>
      %convert_element_type3A_764 = arith.extui %ge3A_763 : vector<256x2048xi1> to vector<256x2048xi32>
      %convert_element_type3A_765 = arith.sitofp %convert_element_type3A_764 : vector<256x2048xi32> to vector<256x2048xf32>
      %convert_element_type3A_766 = arith.truncf %convert_element_type3A_765 : vector<256x2048xf32> to vector<256x2048xbf16>
      %dot_general3A_767 = arith.constant dense<0.000000e+00> : vector<256x8xf32>
      %dot_general3A_768 = tpu.matmul %convert_element_type3A_766, %broadcast_in_dim3A_35, %dot_general3A_767 {dimension_numbers = #tpu.dot_dimension_numbers<[1], [0], [0], [1], [0, 0, 1, 1], [], []>, transpose_lhs_hint = false} : vector<256x2048xbf16>, vector<2048x8xbf16>, vector<256x8xf32> -> vector<256x8xf32>
      %slice3A_769 = vector.extract_strided_slice %dot_general3A_768 {offsets = [0, 0], sizes = [256, 1], strides = [1, 1]} : vector<256x8xf32> to vector<256x1xf32>
      %ge3A_770 = arith.constant 2.560000e+02 : f32
      %ge3A_771 = vector.broadcast %ge3A_770 : f32 to vector<256x1xf32>
      %ge3A_772 = arith.cmpf oge, %slice3A_769, %ge3A_771 : vector<256x1xf32>
      %select_n3A_773 = arith.select %ge3A_772, %add3A_761, %select_n3A_749 : vector<256x1xi1>, vector<256x1xi32>
      %bitcast_convert_type3A_774 = tpu.bitcast %select_n3A_773 : vector<256x1xi32> -> vector<256x1xf32>
      %swap3A = arith.constant 0 : index
      %swap3A_775 = arith.constant 0 : index
      %swap3A_776 = arith.constant 0 : index
      %swap3A_777 = vector.load %arg7[%swap3A, %swap3A_775, %swap3A_776] : memref<1x256x1xf32, #tpu.memory_space<vmem>>, vector<1x256x1xf32>
      %swap3A_778 = vector.shape_cast %swap3A_777 : vector<1x256x1xf32> to vector<256x1xf32>
      %swap3A_779 = vector.shape_cast %bitcast_convert_type3A_774 : vector<256x1xf32> to vector<1x256x1xf32>
      tpu.vector_store %arg7[%swap3A, %swap3A_775, %swap3A_776], %swap3A_779 {strides = array<i32>} : memref<1x256x1xf32, #tpu.memory_space<vmem>>, vector<1x256x1xf32>,
    } else {
    }
    return
  }
  func.func @transform_0(%arg0: i32, %arg1: i32, %arg2: i32) -> i32 {
    %c0_i32 = arith.constant 0 : i32
    %c0_i32_0 = arith.constant 0 : i32
    return %c0_i32 : i32
  }
  func.func @transform_1(%arg0: i32, %arg1: i32, %arg2: i32) -> (i32, i32, i32, i32) {
    %c0_i32 = arith.constant 0 : i32
    %c0_i32_0 = arith.constant 0 : i32
    return %arg0, %arg2, %arg1, %c0_i32 : i32, i32, i32, i32
  }
  func.func @transform_2(%arg0: i32, %arg1: i32, %arg2: i32) -> (i32, i32, i32, i32) {
    %c0_i32 = arith.constant 0 : i32
    %c0_i32_0 = arith.constant 0 : i32
    %c0_i32_1 = arith.constant 0 : i32
    return %arg0, %arg2, %c0_i32, %c0_i32_0 : i32, i32, i32, i32
  }
  func.func @transform_3(%arg0: i32, %arg1: i32, %arg2: i32) -> (i32, i32, i32) {
    %c0_i32 = arith.constant 0 : i32
    %c0_i32_0 = arith.constant 0 : i32
    return %arg0, %arg1, %c0_i32 : i32, i32, i32
  }
  func.func @transform_4(%arg0: i32, %arg1: i32, %arg2: i32) -> (i32, i32, i32) {
    %c0_i32 = arith.constant 0 : i32
    %c0_i32_0 = arith.constant 0 : i32
    return %arg0, %arg1, %c0_i32 : i32, i32, i32
  }
}

module attributes {stable_mosaic.version = 14 : i64} {
  func.func @_attn_body(%arg0: i32, %arg1: i32, %arg2: memref<1x4096x64xf32, #tpu.memory_space<vmem>>, %arg3: memref<1x2048x64xf32, #tpu.memory_space<vmem>>, %arg4: memref<1x2048x64xf32, #tpu.memory_space<vmem>>, %arg5: memref<1x128x2048xf32, #tpu.memory_space<vmem>>, %arg6: memref<1x128x1xf32, #tpu.memory_space<vmem>>, %arg7: memref<1x4096x64xf32, #tpu.memory_space<vmem>>) attributes {dimension_semantics = [#tpu.dimension_semantics<arbitrary>, #tpu.dimension_semantics<arbitrary>], iteration_bounds = array<i64: 2, 16>, scalar_prefetch = 0 : i64, scratch_operands = 0 : i64, tpu.core_type = #tpu.core_type<tc>, window_params = [{transform_indices = @transform_0, window_bounds = array<i64: 1, 4096, 64>}, {transform_indices = @transform_1, window_bounds = array<i64: 1, 2048, 64>}, {transform_indices = @transform_2, window_bounds = array<i64: 1, 2048, 64>}, {transform_indices = @transform_3, window_bounds = array<i64: 1, 128, 2048>}, {transform_indices = @transform_4, window_bounds = array<i64: 1, 128, 1>}, {transform_indices = @transform_5, window_bounds = array<i64: 1, 4096, 64>}]} {
    %get3A = arith.constant 0 : index
    %get3A_0 = arith.constant 0 : index
    %get3A_1 = arith.constant 0 : index
    %get3A_2 = vector.load %arg3[%get3A, %get3A_0, %get3A_1] : memref<1x2048x64xf32, #tpu.memory_space<vmem>>, vector<1x2048x64xf32>
    %get3A_3 = vector.shape_cast %get3A_2 : vector<1x2048x64xf32> to vector<2048x64xf32>
    %get3A_4 = arith.constant 0 : index
    %get3A_5 = arith.constant 0 : index
    %get3A_6 = arith.constant 0 : index
    %get3A_7 = vector.load %arg4[%get3A_4, %get3A_5, %get3A_6] : memref<1x2048x64xf32, #tpu.memory_space<vmem>>, vector<1x2048x64xf32>
    %get3A_8 = vector.shape_cast %get3A_7 : vector<1x2048x64xf32> to vector<2048x64xf32>
    %get3A_9 = arith.constant 0 : index
    %get3A_10 = arith.constant 0 : index
    %get3A_11 = arith.constant 0 : index
    %get3A_12 = vector.load %arg2[%get3A_9, %get3A_10, %get3A_11] : memref<1x4096x64xf32, #tpu.memory_space<vmem>>, vector<1x4096x64xf32>
    %get3A_13 = vector.shape_cast %get3A_12 : vector<1x4096x64xf32> to vector<4096x64xf32>
    %dot_general3A = arith.constant dense<0.000000e+00> : vector<4096x2048xf32>
    %dot_general3A_14 = tpu.matmul %get3A_13, %get3A_3, %dot_general3A {dimension_numbers = #tpu.dot_dimension_numbers<[1], [1], [0], [0], [0, 0, 1, 0], [], []>, transpose_lhs_hint = false} : vector<4096x64xf32>, vector<2048x64xf32>, vector<4096x2048xf32> -> vector<4096x2048xf32>
    %mul3A = arith.constant 1.250000e-01 : f32
    %mul3A_15 = vector.broadcast %mul3A : f32 to vector<4096x2048xf32>
    %mul3A_16 = arith.mulf %dot_general3A_14, %mul3A_15 : vector<4096x2048xf32>
    %reshape3A = vector.shape_cast %mul3A_16 : vector<4096x2048xf32> to vector<128x32x2048xf32>
    %get3A_17 = arith.constant 0 : index
    %get3A_18 = arith.constant 0 : index
    %get3A_19 = arith.constant 0 : index
    %get3A_20 = vector.load %arg5[%get3A_17, %get3A_18, %get3A_19] : memref<1x128x2048xf32, #tpu.memory_space<vmem>>, vector<1x128x2048xf32>
    %get3A_21 = vector.shape_cast %get3A_20 : vector<1x128x2048xf32> to vector<128x2048xf32>
    %get3A_22 = arith.constant 0 : index
    %get3A_23 = arith.constant 0 : index
    %get3A_24 = arith.constant 0 : index
    %get3A_25 = vector.load %arg6[%get3A_22, %get3A_23, %get3A_24] : memref<1x128x1xf32, #tpu.memory_space<vmem>>, vector<1x128x1xf32>
    %get3A_26 = vector.shape_cast %get3A_25 : vector<1x128x1xf32> to vector<128x1xf32>
    %gt3A = vector.broadcast %get3A_26 : vector<128x1xf32> to vector<128x2048xf32>
    %gt3A_27 = arith.cmpf ogt, %get3A_21, %gt3A : vector<128x2048xf32>
    %eq3A = vector.broadcast %get3A_26 : vector<128x1xf32> to vector<128x2048xf32>
    %eq3A_28 = arith.cmpf oeq, %get3A_21, %eq3A : vector<128x2048xf32>
    %convert_element_type3A = arith.extui %gt3A_27 : vector<128x2048xi1> to vector<128x2048xi32>
    %convert_element_type3A_29 = arith.sitofp %convert_element_type3A : vector<128x2048xi32> to vector<128x2048xf32>
    %reduce_sum3A = arith.constant dense<0.000000e+00> : vector<128xf32>
    %reduce_sum3A_30 = vector.multi_reduction <add>, %convert_element_type3A_29, %reduce_sum3A [1] : vector<128x2048xf32> to vector<128xf32>
    %broadcast_in_dim3A = vector.shape_cast %reduce_sum3A_30 : vector<128xf32> to vector<128x1xf32>
    %convert_element_type3A_31 = arith.extui %eq3A_28 : vector<128x2048xi1> to vector<128x2048xi32>
    %convert_element_type3A_32 = arith.sitofp %convert_element_type3A_31 : vector<128x2048xi32> to vector<128x2048xf32>
    %broadcast_in_dim3A_33 = arith.constant 0.000000e+00 : f32
    %broadcast_in_dim3A_34 = vector.broadcast %broadcast_in_dim3A_33 : f32 to vector<128x1xf32>
    %slice3A = vector.extract_strided_slice %convert_element_type3A_32 {offsets = [0, 0], sizes = [128, 2047], strides = [1, 1]} : vector<128x2048xf32> to vector<128x2047xf32>
    %concatenate3A = tpu.concatenate %broadcast_in_dim3A_34, %slice3A in 1 : vector<128x1xf32>, vector<128x2047xf32> -> vector<128x2048xf32>
    %add3A = arith.addf %convert_element_type3A_32, %concatenate3A : vector<128x2048xf32>
    %broadcast_in_dim3A_35 = arith.constant 0.000000e+00 : f32
    %broadcast_in_dim3A_36 = vector.broadcast %broadcast_in_dim3A_35 : f32 to vector<128x2xf32>
    %slice3A_37 = vector.extract_strided_slice %add3A {offsets = [0, 0], sizes = [128, 2046], strides = [1, 1]} : vector<128x2048xf32> to vector<128x2046xf32>
    %concatenate3A_38 = tpu.concatenate %broadcast_in_dim3A_36, %slice3A_37 in 1 : vector<128x2xf32>, vector<128x2046xf32> -> vector<128x2048xf32>
    %add3A_39 = arith.addf %add3A, %concatenate3A_38 : vector<128x2048xf32>
    %broadcast_in_dim3A_40 = arith.constant 0.000000e+00 : f32
    %broadcast_in_dim3A_41 = vector.broadcast %broadcast_in_dim3A_40 : f32 to vector<128x4xf32>
    %slice3A_42 = vector.extract_strided_slice %add3A_39 {offsets = [0, 0], sizes = [128, 2044], strides = [1, 1]} : vector<128x2048xf32> to vector<128x2044xf32>
    %concatenate3A_43 = tpu.concatenate %broadcast_in_dim3A_41, %slice3A_42 in 1 : vector<128x4xf32>, vector<128x2044xf32> -> vector<128x2048xf32>
    %add3A_44 = arith.addf %add3A_39, %concatenate3A_43 : vector<128x2048xf32>
    %broadcast_in_dim3A_45 = arith.constant 0.000000e+00 : f32
    %broadcast_in_dim3A_46 = vector.broadcast %broadcast_in_dim3A_45 : f32 to vector<128x8xf32>
    %slice3A_47 = vector.extract_strided_slice %add3A_44 {offsets = [0, 0], sizes = [128, 2040], strides = [1, 1]} : vector<128x2048xf32> to vector<128x2040xf32>
    %concatenate3A_48 = tpu.concatenate %broadcast_in_dim3A_46, %slice3A_47 in 1 : vector<128x8xf32>, vector<128x2040xf32> -> vector<128x2048xf32>
    %add3A_49 = arith.addf %add3A_44, %concatenate3A_48 : vector<128x2048xf32>
    %broadcast_in_dim3A_50 = arith.constant 0.000000e+00 : f32
    %broadcast_in_dim3A_51 = vector.broadcast %broadcast_in_dim3A_50 : f32 to vector<128x16xf32>
    %slice3A_52 = vector.extract_strided_slice %add3A_49 {offsets = [0, 0], sizes = [128, 2032], strides = [1, 1]} : vector<128x2048xf32> to vector<128x2032xf32>
    %concatenate3A_53 = tpu.concatenate %broadcast_in_dim3A_51, %slice3A_52 in 1 : vector<128x16xf32>, vector<128x2032xf32> -> vector<128x2048xf32>
    %add3A_54 = arith.addf %add3A_49, %concatenate3A_53 : vector<128x2048xf32>
    %broadcast_in_dim3A_55 = arith.constant 0.000000e+00 : f32
    %broadcast_in_dim3A_56 = vector.broadcast %broadcast_in_dim3A_55 : f32 to vector<128x32xf32>
    %slice3A_57 = vector.extract_strided_slice %add3A_54 {offsets = [0, 0], sizes = [128, 2016], strides = [1, 1]} : vector<128x2048xf32> to vector<128x2016xf32>
    %concatenate3A_58 = tpu.concatenate %broadcast_in_dim3A_56, %slice3A_57 in 1 : vector<128x32xf32>, vector<128x2016xf32> -> vector<128x2048xf32>
    %add3A_59 = arith.addf %add3A_54, %concatenate3A_58 : vector<128x2048xf32>
    %broadcast_in_dim3A_60 = arith.constant 0.000000e+00 : f32
    %broadcast_in_dim3A_61 = vector.broadcast %broadcast_in_dim3A_60 : f32 to vector<128x64xf32>
    %slice3A_62 = vector.extract_strided_slice %add3A_59 {offsets = [0, 0], sizes = [128, 1984], strides = [1, 1]} : vector<128x2048xf32> to vector<128x1984xf32>
    %concatenate3A_63 = tpu.concatenate %broadcast_in_dim3A_61, %slice3A_62 in 1 : vector<128x64xf32>, vector<128x1984xf32> -> vector<128x2048xf32>
    %add3A_64 = arith.addf %add3A_59, %concatenate3A_63 : vector<128x2048xf32>
    %broadcast_in_dim3A_65 = arith.constant 0.000000e+00 : f32
    %broadcast_in_dim3A_66 = vector.broadcast %broadcast_in_dim3A_65 : f32 to vector<128x128xf32>
    %slice3A_67 = vector.extract_strided_slice %add3A_64 {offsets = [0, 0], sizes = [128, 1920], strides = [1, 1]} : vector<128x2048xf32> to vector<128x1920xf32>
    %concatenate3A_68 = tpu.concatenate %broadcast_in_dim3A_66, %slice3A_67 in 1 : vector<128x128xf32>, vector<128x1920xf32> -> vector<128x2048xf32>
    %add3A_69 = arith.addf %add3A_64, %concatenate3A_68 : vector<128x2048xf32>
    %broadcast_in_dim3A_70 = arith.constant 0.000000e+00 : f32
    %broadcast_in_dim3A_71 = vector.broadcast %broadcast_in_dim3A_70 : f32 to vector<128x256xf32>
    %slice3A_72 = vector.extract_strided_slice %add3A_69 {offsets = [0, 0], sizes = [128, 1792], strides = [1, 1]} : vector<128x2048xf32> to vector<128x1792xf32>
    %concatenate3A_73 = tpu.concatenate %broadcast_in_dim3A_71, %slice3A_72 in 1 : vector<128x256xf32>, vector<128x1792xf32> -> vector<128x2048xf32>
    %add3A_74 = arith.addf %add3A_69, %concatenate3A_73 : vector<128x2048xf32>
    %broadcast_in_dim3A_75 = arith.constant 0.000000e+00 : f32
    %broadcast_in_dim3A_76 = vector.broadcast %broadcast_in_dim3A_75 : f32 to vector<128x512xf32>
    %slice3A_77 = vector.extract_strided_slice %add3A_74 {offsets = [0, 0], sizes = [128, 1536], strides = [1, 1]} : vector<128x2048xf32> to vector<128x1536xf32>
    %concatenate3A_78 = tpu.concatenate %broadcast_in_dim3A_76, %slice3A_77 in 1 : vector<128x512xf32>, vector<128x1536xf32> -> vector<128x2048xf32>
    %add3A_79 = arith.addf %add3A_74, %concatenate3A_78 : vector<128x2048xf32>
    %broadcast_in_dim3A_80 = arith.constant 0.000000e+00 : f32
    %broadcast_in_dim3A_81 = vector.broadcast %broadcast_in_dim3A_80 : f32 to vector<128x1024xf32>
    %slice3A_82 = vector.extract_strided_slice %add3A_79 {offsets = [0, 0], sizes = [128, 1024], strides = [1, 1]} : vector<128x2048xf32> to vector<128x1024xf32>
    %concatenate3A_83 = tpu.concatenate %broadcast_in_dim3A_81, %slice3A_82 in 1 : vector<128x1024xf32>, vector<128x1024xf32> -> vector<128x2048xf32>
    %add3A_84 = arith.addf %add3A_79, %concatenate3A_83 : vector<128x2048xf32>
    %sub3A = arith.constant 2.560000e+02 : f32
    %sub3A_85 = vector.broadcast %sub3A : f32 to vector<128x1xf32>
    %sub3A_86 = arith.subf %sub3A_85, %broadcast_in_dim3A : vector<128x1xf32>
    %le3A = vector.broadcast %sub3A_86 : vector<128x1xf32> to vector<128x2048xf32>
    %le3A_87 = arith.cmpf ole, %add3A_84, %le3A : vector<128x2048xf32>
    %and3A = arith.andi %eq3A_28, %le3A_87 : vector<128x2048xi1>
    %or3A = arith.ori %gt3A_27, %and3A : vector<128x2048xi1>
    %broadcast_in_dim3A_88 = vector.shape_cast %or3A : vector<128x2048xi1> to vector<128x1x2048xi1>
    %jit3A = arith.constant -1.000000e+30 : f32
    %broadcast_in_dim3A_89 = vector.shape_cast %broadcast_in_dim3A_88 : vector<128x1x2048xi1> to vector<128x1x2048xi1>
    %broadcast_in_dim3A_90 = vector.broadcast %broadcast_in_dim3A_89 : vector<128x1x2048xi1> to vector<128x32x2048xi1>
    %broadcast_in_dim3A_91 = vector.broadcast %jit3A : f32 to vector<128x32x2048xf32>
    %select_n3A = arith.select %broadcast_in_dim3A_90, %reshape3A, %broadcast_in_dim3A_91 : vector<128x32x2048xi1>, vector<128x32x2048xf32>
    %exp3A = math.exp %select_n3A : vector<128x32x2048xf32>
    %reduce_sum3A_92 = arith.constant dense<0.000000e+00> : vector<128x32xf32>
    %reduce_sum3A_93 = vector.multi_reduction <add>, %exp3A, %reduce_sum3A_92 [2] : vector<128x32x2048xf32> to vector<128x32xf32>
    %broadcast_in_dim3A_94 = vector.shape_cast %reduce_sum3A_93 : vector<128x32xf32> to vector<128x32x1xf32>
    %reshape3A_95 = vector.shape_cast %exp3A : vector<128x32x2048xf32> to vector<4096x2048xf32>
    %dot_general3A_96 = arith.constant dense<0.000000e+00> : vector<4096x64xf32>
    %dot_general3A_97 = tpu.matmul %reshape3A_95, %get3A_8, %dot_general3A_96 {dimension_numbers = #tpu.dot_dimension_numbers<[1], [0], [0], [1], [0, 0, 1, 1], [], []>, transpose_lhs_hint = false} : vector<4096x2048xf32>, vector<2048x64xf32>, vector<4096x64xf32> -> vector<4096x64xf32>
    %reshape3A_98 = vector.shape_cast %broadcast_in_dim3A_94 : vector<128x32x1xf32> to vector<4096x1xf32>
    %div3A = vector.broadcast %reshape3A_98 : vector<4096x1xf32> to vector<4096x64xf32>
    %div3A_99 = arith.divf %dot_general3A_97, %div3A : vector<4096x64xf32>
    %swap3A = arith.constant 0 : index
    %swap3A_100 = arith.constant 0 : index
    %swap3A_101 = arith.constant 0 : index
    %swap3A_102 = vector.load %arg7[%swap3A, %swap3A_100, %swap3A_101] : memref<1x4096x64xf32, #tpu.memory_space<vmem>>, vector<1x4096x64xf32>
    %swap3A_103 = vector.shape_cast %swap3A_102 : vector<1x4096x64xf32> to vector<4096x64xf32>
    %swap3A_104 = vector.shape_cast %div3A_99 : vector<4096x64xf32> to vector<1x4096x64xf32>
    tpu.vector_store %arg7[%swap3A, %swap3A_100, %swap3A_101], %swap3A_104 {strides = array<i32>} : memref<1x4096x64xf32, #tpu.memory_space<vmem>>, vector<1x4096x64xf32>,
    return
  }
  func.func @transform_0(%arg0: i32, %arg1: i32) -> (i32, i32, i32) {
    %c0_i32 = arith.constant 0 : i32
    %c0_i32_0 = arith.constant 0 : i32
    return %arg0, %arg1, %c0_i32 : i32, i32, i32
  }
  func.func @transform_1(%arg0: i32, %arg1: i32) -> (i32, i32, i32) {
    %c0_i32 = arith.constant 0 : i32
    %c0_i32_0 = arith.constant 0 : i32
    %c0_i32_1 = arith.constant 0 : i32
    return %arg0, %c0_i32, %c0_i32_0 : i32, i32, i32
  }
  func.func @transform_2(%arg0: i32, %arg1: i32) -> (i32, i32, i32) {
    %c0_i32 = arith.constant 0 : i32
    %c0_i32_0 = arith.constant 0 : i32
    %c0_i32_1 = arith.constant 0 : i32
    return %arg0, %c0_i32, %c0_i32_0 : i32, i32, i32
  }
  func.func @transform_3(%arg0: i32, %arg1: i32) -> (i32, i32, i32) {
    %c0_i32 = arith.constant 0 : i32
    %c0_i32_0 = arith.constant 0 : i32
    return %arg0, %arg1, %c0_i32 : i32, i32, i32
  }
  func.func @transform_4(%arg0: i32, %arg1: i32) -> (i32, i32, i32) {
    %c0_i32 = arith.constant 0 : i32
    %c0_i32_0 = arith.constant 0 : i32
    return %arg0, %arg1, %c0_i32 : i32, i32, i32
  }
  func.func @transform_5(%arg0: i32, %arg1: i32) -> (i32, i32, i32) {
    %c0_i32 = arith.constant 0 : i32
    %c0_i32_0 = arith.constant 0 : i32
    return %arg0, %arg1, %c0_i32 : i32, i32, i32
  }
}

</mosaic_0001>

<sc_bundles>
// kernel: sparse-core-data-format-call.cloned.1.call-start
scs
called_computation_lowered:
.L_overlay_start_0:
0x0: {  	s2 =	sld [smem:$0x3FD9]  }
0x1: {  	s3 =	sld [smem:$0x3FFE];
	_ =	sdelay $0x1  }
0x2: {  	s1 =	srdreg.scid  }
0x3: {  	s0 =	sand.u32 $0x1, s1  }
0x4: {  	s18 =	sshll.u32 s0, $0xA;
	s2 =	sadd.s32 s3, s2  }
0x5: {  	s2 =	sadd.s32 s2, s18  }
0x6: {  	[smem:$0x3FBD] =	sst s2  }
0x7: {  	_ = 	snop  }
0x8: {  	s2 =	sld [smem:$0x3FC8];
	(tm) =	ssettm $0x1  }
0x9: {  	s19 =	sld [smem:$0x3FFB];
	_ =	sdelay $0x3  }
0xa: {  	_ =	strace s19  }
0xb: {  	s3 =	sld [smem:$0x3FFC];
	_ =	sdelay $0x3  }
0xc: {  	_ =	strace s3  }
0xd: {  	s3 =	sld [smem:$0x3FFD];
	_ =	sdelay $0x3  }
0xe: {  	_ =	strace s3  }
0xf: {  	_ =	strace $0x8FFFFFFF  }
0x10: {  	s20 =	sld [smem:$0x3FDB];
	_ =	sdelay $0x1  }
0x11: {  	s4 =	simm.s32 $_scs_section_size  }
0x12: {  	s5 =	simm.s32 $_size__tile_overlayer_lowered;
	s6 =	simm.s32 $_tile_overlayer_lowered  }
0x13: {  	s23 =	simm.s32 $0x1BFF;
	s22 =	sshll.u32 s6, $0x1;
	s3 =	sadd.s32 s4, s20  }
0x14: {  	s7 =	simm.s32 $0x0;
	s21 =	sshll.u32 s5, $0x1;
	s5 =	sadd.s32 s22, s3  }
0x15: {  	[timem:s7], [sflag:s23] =	dma.local [hbm:s5], s21  }
0x16: {  	_ =	swait.ge [sflag:s23], s21  }
0x17: {  	s4 =	ssub.s32 $0x0, s21;
	[sflag:s23] =	ssyncset.done $0x0  }
0x18: {  	[sflag:s23] =	ssyncadd.s32 s4;
	_ =	sdelay $0x1  }
0x19: {  	s24 =	simm.s32 $0x1B8B  }
0x1a: {  	_ =	swait.ge [sflag:s24], $0x1  }
0x1b: {  	[sflag:s24] =	ssyncset.done $0x0  }
0x1c: {  	s26 =	simm.s32 $0x1B8E;
	s25 =	sld [smem:$0x3FFE];
	[sflag:s24] =	ssyncadd.s32 $0xFFFFFFFF  }
0x1d: {  	s27 =	simm.s32 $execute0_lowered;
	[smem:$0x3FD2] =	sst s26  }
0x1e: {  	s5 =	sshll.u32 s27, $0x1;
	_ =	strace $0x80000046;
	[dreg:$0x1] =	wrdreg $0xFFFFFFFF  }
0x1f: {  	s28 =	simm.s32 $_size_execute0_lowered;
	s3 =	sadd.s32 s3, s5;
	[dreg:$0x0] =	wrdreg $0x0  }
0x20: {  	s5 =	sshll.u32 s28, $0x1;
	[dreg:$0x2] =	wrdreg s3  }
0x21: {  	[dreg:$0x3] =	wrdreg s5  }
0x22: {  	[dreg:$0x4] =	wrdreg $0xC0  }
0x23: {  	_ =	task [dreg:s7], $0x5FFFF  }
0x24: {  	[dreg:$0x1] =	wrdreg $0xFFFFFFFF  }
0x25: {  	[dreg:$0x0] =	wrdreg $0x60  }
0x26: {  	[dreg:$0x2] =	wrdreg s2  }
0x27: {  	[dreg:$0x3] =	wrdreg s25  }
0x28: {  	[dreg:$0x4] =	wrdreg $0x9  }
0x29: {  	_ =	task.clear_ibuf [dreg:s7], $0x5FFFF;
	_ =	strace $0x90000046  }
0x2a: {  	s29 =	simm.s32 $0x9;
	_ =	strace $0x80000048  }
0x2b: {  	_ =	swait.ge [sflag:s29], $0x1  }
0x2c: {  	[sflag:s29] =	ssyncadd.s32 $0xFFFFFFFF  }
0x2d: {  	_ =	strace $0x90000048  }
0x2e: {  	_ =	sfence  }
0x2f: {  	s30 =	sld [smem:$0x0];
	_ =	sdelay $0x2  }
0x30: {  	s31 =	sshll.u32 s1, $0xD;
	s1 =	sshrl.u32 s1, $0x2  }
0x31: {  	s3 =	sand.u32 $0x4000, s31;
	s1 =	sadd.s32 s1, s30  }
0x32: {  	s0 =	sor.u32 s3, s0;
	s1 =	sshll.u32 s1, $0x11  }
0x33: {  	s0 =	sor.u32 s1, s0  }
0x34: {  	s0 =	sadd.s32 $0x8F2B, s0  }
0x35: {  	[sflag:s0] =	ssyncadd.remote.s32 $0x1  }
0x36: {  	_ =	sfence.sel $0xFFFF  }
0x37: {  	[dreg:$0x0] =	wrdreg $0xFFFFFFFF;
	(pc) =	sbr.abs _section_cstart, $3  }
0x38: {  	[dreg:$0x1] =	wrdreg $0xFFFFFFFF  }
0x39: {  	_ =	task.clear_ibuf [dreg:s7], $0x2FFFF;
	_ =	strace $0x9FFFFFFF  }
0x3a: {  	(tm) =	ssettm $0x7FFFFFFF  }
0x3b: {  	_ =	shalt  }
tec
execute0_lowered:
.L_overlay_start_1:
0x0: {  	(tag) =	ssettag $0x1  }
0x1: {  	s2 =	rddreg [dreg:$0x0]  }
0x2: {  	s0 =	stileid.u32;
	s4 =	rddreg [dreg:$0x1]  }
0x3: {  	s1 =	rddreg [dreg:$0x2];
	s6 =	srdreg.scid  }
0x4: {  	_ =	strace $0x80000047;
	s9 =	simm.s32 $0x2;
	s16 =	simm.s32 $0x0  }
0x5: {  	p0 =	por $0x0, $0x0;
	s15 =	simm.s32 $0x0;
	s18 =	simm.s32 $0x0  }
0x6: {  	s17 =	simm.s32 $0x0;
	s10 =	simm.s32 $0x0;
	s3 =	sand.u32 $0x1, s0  }
0x7: {  	s11 =	simm.s32 $0x0;
	s14 =	simm.s32 $0x0;
	s5 =	ssub.s32 $0x2, s3  }
0x8: {  	s6 =	sshll.u32 s6, $0x4;
	s4 =	sadd.s32 $0x1A00, s4;
	s7 =	sshll.u32 s5, $0x1  }
.Ltmp0:
0x9: {  	s6 =	sand.u32 $0x10, s6;
	s7 =	sand.u32 $0x2, s7;
	(pc) =	sbr.rel .LBB1_1-.Ltmp0, $4  }
0xa: {  	s13 =	smov.u32 s3;
	s7 =	sadd.s32 s5, s7;
	s5 =	simm.s32 $0x1  }
0xb: {  	s8 =	sor.u32 s0, s6;
	s31 =	sshll.u32 s7, $0x3;
	[sflag:s5] =	ssyncpa.u1 $0x0  }
0xc: {  	s7 =	sshrl.u32 s8, $0x1;
	s6 =	sand.u32 $0x30, s31;
	[sflag:s9] =	ssyncpa.u1 $0x0  }
0xd: {  	s9 =	simm.s32 $0x1000;
	s12 =	smov.u32 s7;
	s8 =	sor.u32 $0x1, s6  }
.LBB1_4:
0xe: {  	_ = 	snop  }
0xf: {  	[tilespmem:s23+$0x1860 ss:$0x41] =	vst.msk $0xffff, v8  }
0x10: {  	[tilespmem:s23+$0x1C70 ss:$0x41] =	vst.msk $0xffff, v7  }
0x11: {  	[tilespmem:s23+$0x2490 ss:$0x41] =	vst.msk $0xffff, v1  }
0x12: {  	s26 =	sor.u32 s29, s28;
	v47 =	vld.idx.msk [tilespmem:v0+s21+$0x470 ss:$0x1], $0xffff;
	[tilespmem:s23+$0x28A0 ss:$0x41] =	vst.msk $0xffff, v2  }
0x13: {  	[tilespmem:s23+$0x2CB0 ss:$0x41] =	vst.msk $0xffff, v3;
	v57 =	vld.idx.msk [tilespmem:v0+s26+$0x410 ss:$0x1], $0xffff  }
0x14: {  	[tilespmem:s23+$0x30C0 ss:$0x41] =	vst.msk $0xffff, v4;
	s27 =	sand.u32 $0x3B00, s26;
	v58 =	vld.idx.msk [tilespmem:v0+s26+$0x420 ss:$0x1], $0xffff  }
0x15: {  	s25 =	sand.u32 $0x80, s25;
	[tilespmem:s23+$0x34D0 ss:$0x41] =	vst.msk $0xffff, v5;
	v59 =	vld.idx.msk [tilespmem:v0+s26+$0x430 ss:$0x1], $0xffff;
	s20 =	sadd.s32 s27, s20  }
0x16: {  	[tilespmem:s23+$0x38E0 ss:$0x41] =	vst.msk $0xffff, v6;
	v60 =	vld.idx.msk [tilespmem:v0+s26+$0x440 ss:$0x1], $0xffff;
	s20 =	sadd.s32 s25, s20;
	s25 =	sshra.s32 s24, $0x2  }
0x17: {  	v61 =	vld.idx.msk [tilespmem:v0+s26+$0x450 ss:$0x1], $0xffff;
	s21 =	sadd.s32 s25, s22;
	[tilespmem:s23+$0x3CF0 ss:$0x41] =	vst.msk $0xffff, v47  }
0x18: {  	v62 =	vld.idx.msk [tilespmem:v0+s26+$0x460 ss:$0x1], $0xffff;
	[tilespmem:s21+$0x2490 ss:$0x41] =	vst.msk $0xffff, v57  }
0x19: {  	v63 =	vld.idx.msk [tilespmem:v0+s26+$0x470 ss:$0x1], $0xffff;
	[tilespmem:s21+$0x28A0 ss:$0x41] =	vst.msk $0xffff, v58  }
0x1a: {  	v48 =	vld [tilespmem:s20+$0x400];
	[tilespmem:s21+$0x2CB0 ss:$0x41] =	vst.msk $0xffff, v59  }
0x1b: {  	v49 =	vld [tilespmem:s20+$0x0];
	[tilespmem:s21+$0x30C0 ss:$0x41] =	vst.msk $0xffff, v60  }
0x1c: {  	v50 =	vld [tilespmem:s20+$0x10];
	[tilespmem:s21+$0x34D0 ss:$0x41] =	vst.msk $0xffff, v61  }
0x1d: {  	v51 =	vld [tilespmem:s20+$0x20];
	[tilespmem:s21+$0x38E0 ss:$0x41] =	vst.msk $0xffff, v62  }
0x1e: {  	v52 =	vld [tilespmem:s20+$0x30];
	[tilespmem:s21+$0x3CF0 ss:$0x41] =	vst.msk $0xffff, v63  }
0x1f: {  	v53 =	vld [tilespmem:s20+$0x40];
	[tilespmem:s21+$0x2080 ss:$0x41] =	vst.msk $0xffff, v48  }
0x20: {  	v54 =	vld [tilespmem:s20+$0x50];
	[tilespmem:s21+$0x0 ss:$0x41] =	vst.msk $0xffff, v49  }
0x21: {  	s18 =	sshll.u32 s18, $0x7;
	s17 =	sshll.u32 s17, $0x14;
	s27 =	sshll.u32 s15, $0x3;
	v55 =	vld [tilespmem:s20+$0x60];
	[tilespmem:s21+$0x410 ss:$0x41] =	vst.msk $0xffff, v50  }
0x22: {  	s16 =	sshll.u32 s16, $0x9;
	s28 =	sand.u32 $0xC00, s18;
	v56 =	vld [tilespmem:s20+$0x70];
	s20 =	sand.u32 $0xC00, s27;
	[tilespmem:s21+$0x820 ss:$0x41] =	vst.msk $0xffff, v51  }
0x23: {  	s29 =	sshrl.u32 s15, $0x3;
	s18 =	sand.u32 $0x380, s18;
	s20 =	sadd.s32 s28, s20;
	[tilespmem:s21+$0xC30 ss:$0x41] =	vst.msk $0xffff, v52  }
0x24: {  	s30 =	sand.u32 $0x7, s15;
	s17 =	sadd.s32 s4, s17;
	s18 =	sor.u32 s18, s20;
	[tilespmem:s21+$0x1040 ss:$0x41] =	vst.msk $0xffff, v53  }
0x25: {  	s16 =	sadd.s32 s16, s17;
	s20 =	sand.u32 $0xF, s29;
	s18 =	sshrl.u32 s18, $0x3;
	[tilespmem:s21+$0x1450 ss:$0x41] =	vst.msk $0xffff, v54  }
0x26: {  	s15 =	sshll.u32 s30, $0x12;
	s16 =	sadd.s32 s20, s16;
	s31 =	sand.u32 $0x1F0, s18;
	[tilespmem:s21+$0x1860 ss:$0x41] =	vst.msk $0xffff, v55  }
0x27: {  	s15 =	sor.u32 $0x40, s15;
	[tilespmem:s21+$0x1C70 ss:$0x41] =	vst.msk $0xffff, v56;
	s16 =	sadd.s32 s31, s16  }
0x28: {  	[hbm4b:s16+s15] =	stream.strided.scatter [tilespmem:s19], [sflag:$0x2], $0x4000, s9, s15, $0x18;
	[tilespmem:$0x10200] =	vst v63  }
.LBB1_5:
0x29: {  	s19 =	sadd.s32 $0x100, s10  }
0x2a: {  	s15 =	sadd.s32 $0x40, s11;
	s20 =	smov.u32 s11;
	p2 =	sgt.s32 s19, $0x7FF  }
0x2b: {  	s20 =	smov.u32 @p2 s15  }
0x2c: {  	s21 =	smov.u32 s12;
	s15 =	sadd.s32 $0x10, s12;
	p3 =	sgt.s32 s20, $0x3F  }
0x2d: {  	s21 =	smov.u32 @p3 s15  }
0x2e: {  	s22 =	smov.u32 s13;
	s15 =	sadd.s32 $0x2, s13;
	p4 =	sgt.s32 s21, $0x1F  }
0x2f: {  	p1 =	slt.u32 s14, $0x2;
	s22 =	smov.u32 @p4 s15  }
0x30: {  	s16 =	smov.u32 s10;
	s19 =	simm.s32 @p2 $0x0;
	p2 =	sgt.s32 s22, $0x1  }
0x31: {  	s23 =	simm.s32 @!p1 $0x2;
	s22 =	smov.u32 @p2 s3;
	p2 =	sne.s32 s14, s8  }
.Ltmp1:
0x32: {  	s18 =	smov.u32 s12;
	_ =	swait.ge @!p1 [sflag:s23], $0x4000;
	(pc) =	sbr.rel @!p2 .LBB1_6-.Ltmp1, $4  }
0x33: {  	s17 =	smov.u32 s13;
	p0 =	por !p0, !p0;
	[sflag:s23] =	ssyncset.done @!p1 $0x0  }
0x34: {  	s10 =	smov.u32 s19;
	s20 =	simm.s32 @p3 $0x0;
	[sflag:s23] =	ssyncadd.s32 @!p1 $0xFFFFC000  }
0x35: {  	s21 =	smov.u32 @p4 s7;
	s15 =	smov.u32 s11;
	s11 =	smov.u32 s20  }
0x36: {  	s12 =	smov.u32 s21;
	s14 =	sadd.s32 $0x1, s14;
	s13 =	smov.u32 s22  }
.LBB1_1:
0x37: {  	p1 =	sge.u32 s14, s6  }
0x38: {  	s31 =	sadd.s32 $0xFFFFFFFF, s14;
	s19 =	sxor.u32 @!p1 $0xFFFFFFFF, s14;
	s20 =	sand.u32 @!p1 $0x78, s10  }
0x39: {  	s21 =	sshll.u32 @!p1 s11, $0x7;
	s22 =	sshll.u32 @!p1 s11, $0xB;
	s23 =	sshll.u32 @!p1 s10, $0x3  }
0x3a: {  	s19 =	sshll.u32 @!p1 s19, $0xE;
	s21 =	sand.u32 @!p1 $0x380, s21;
	s22 =	sand.u32 @!p1 $0x1C000, s22  }
0x3b: {  	s19 =	sand.u32 @!p1 $0x4000, s19;
	s20 =	sor.u32 @!p1 s21, s20;
	s21 =	sand.u32 @!p1 $0x400, s23  }
0x3c: {  	s22 =	sadd.s32 @!p1 s22, s23;
	s20 =	sor.u32 @!p1 s21, s20;
	s21 =	sshll.u32 @!p1 s13, $0x13  }
0x3d: {  	s23 =	sshll.u32 @!p1 s12, $0xE;
	s22 =	sshrl.u32 @!p1 s22, $0x3;
	s21 =	sadd.s32 @!p1 s2, s21  }
0x3e: {  	s22 =	sand.u32 @!p1 $0x3F00, s22;
	s21 =	sadd.s32 @!p1 s23, s21;
	s23 =	sand.u32 @!p1 $0x7, s10  }
0x3f: {  	s20 =	sshrl.u32 @!p1 s20, $0x3;
	s21 =	sadd.s32 @!p1 s22, s21;
	s22 =	sshll.u32 @!p1 s23, $0x12  }
0x40: {  	s20 =	sadd.s32 @!p1 s20, s21;
	s21 =	sor.u32 @!p1 $0x800, s22;
	s22 =	simm.s32 @!p1 $0x4000  }
0x41: {  	[tilespmem:s19], [sflag:$0x1] =	stream.strided.gather @!p1 [hbm4b:s20+s21], $0x4000, s22, s21, $0x38;
	[tilespmem:$0x10200] =	vst v63  }
0x42: {  	p1 =	sge.u32 s31, s6  }
.Ltmp2:
0x43: {  	_ = 	snop;
	(pc) =	sbr.rel @p1 .LBB1_5-.Ltmp2, $1  }
0x44: {  	_ =	sdelay $0x3  }
0x45: {  	s22 =	simm.s32 $0x0  }
0x46: {  	s21 =	sand.u32 $0x3800, s22;
	s23 =	sand.u32 $0x380, s22  }
0x47: {  	s19 =	sand.u32 $0x1, s14;
	s21 =	sor.u32 s23, s21  }
0x48: {  	_ =	swait.ge [sflag:s5], $0x4000;
	s20 =	sshll.u32 s19, $0xE;
	s23 =	sand.u32 $0x3B00, s21  }
0x49: {  	[sflag:s5] =	ssyncset.done $0x0;
	s22 =	sand.u32 $0x80, s22;
	s23 =	sadd.s32 s23, s20  }
0x4a: {  	[sflag:s5] =	ssyncadd.s32 $0xFFFFC000;
	s25 =	sadd.s32 s22, s23  }
0x4b: {  	v4 =	vld [tilespmem:s25+$0x400]  }
0x4c: {  	s24 =	simm.s32 $0x1;
	v5 =	vld [tilespmem:s25+$0x0]  }
0x4d: {  	s24 =	simm.s32 @!p0 $0x0;
	v6 =	vld [tilespmem:s25+$0x10]  }
0x4e: {  	v0 =	vmov s20;
	s31 =	smul.u32 $0x10400, s24;
	v7 =	vld [tilespmem:s25+$0x20]  }
0x4f: {  	v9 =	vld [tilespmem:s25+$0x30]  }
0x50: {  	s22 =	sshrl.u32 s31, $0x2;
	v10 =	vld [tilespmem:s25+$0x40]  }
0x51: {  	s22 =	sor.u32 $0x8000, s22;
	v11 =	vld [tilespmem:s25+$0x50]  }
0x52: {  	v8 =	vld [tilespmem:s25+$0x60];
	s23 =	sadd.s32 $0x0, s22  }
0x53: {  	v1 =	vld.idx.msk [tilespmem:v0+s21+$0x410 ss:$0x1], $0xffff;
	[tilespmem:s23+$0x2080 ss:$0x41] =	vst.msk $0xffff, v4  }
0x54: {  	v2 =	vld.idx.msk [tilespmem:v0+s21+$0x420 ss:$0x1], $0xffff;
	[tilespmem:s23+$0x0 ss:$0x41] =	vst.msk $0xffff, v5  }
0x55: {  	v3 =	vld.idx.msk [tilespmem:v0+s21+$0x430 ss:$0x1], $0xffff;
	[tilespmem:s23+$0x410 ss:$0x41] =	vst.msk $0xffff, v6  }
0x56: {  	s19 =	smul.u32 $0x10400, s19;
	[tilespmem:s23+$0x820 ss:$0x41] =	vst.msk $0xffff, v7;
	v7 =	vld [tilespmem:s25+$0x70]  }
0x57: {  	s26 =	simm.s32 $0x100;
	s27 =	simm.s32 $0x8;
	[tilespmem:s23+$0xC30 ss:$0x41] =	vst.msk $0xffff, v9;
	v4 =	vld.idx.msk [tilespmem:v0+s21+$0x440 ss:$0x1], $0xffff  }
0x58: {  	s28 =	sand.u32 $0x3800, s26;
	s19 =	sshrl.u32 s19, $0x2;
	[tilespmem:s23+$0x1040 ss:$0x41] =	vst.msk $0xffff, v10;
	v5 =	vld.idx.msk [tilespmem:v0+s21+$0x450 ss:$0x1], $0xffff;
	s25 =	simm.s32 $0x80  }
0x59: {  	s24 =	simm.s32 $0x4;
	s19 =	sor.u32 $0x8000, s19;
	[tilespmem:s23+$0x1450 ss:$0x41] =	vst.msk $0xffff, v11;
	v6 =	vld.idx.msk [tilespmem:v0+s21+$0x460 ss:$0x1], $0xffff;
	s29 =	sand.u32 $0x380, s25  }
.LBB1_3:
0x5a: {  	p1 =	sne.s32 s27, $0xFC;
	[tilespmem:s23+$0x1860 ss:$0x41] =	vst.msk $0xffff, v8;
	v8 =	vld.idx.msk [tilespmem:v0+s21+$0x470 ss:$0x1], $0xffff;
	s21 =	sor.u32 s29, s28  }
0x5b: {  	s28 =	sand.u32 $0x3B00, s21;
	v9 =	vld.idx.msk [tilespmem:v0+s21+$0x410 ss:$0x1], $0xffff;
	[tilespmem:s23+$0x1C70 ss:$0x41] =	vst.msk $0xffff, v7  }
0x5c: {  	s29 =	sand.u32 $0x80, s25;
	s28 =	sadd.s32 s28, s20;
	v7 =	vld.idx.msk [tilespmem:v0+s21+$0x420 ss:$0x1], $0xffff;
	[tilespmem:s23+$0x2490 ss:$0x41] =	vst.msk $0xffff, v1  }
0x5d: {  	s28 =	sadd.s32 s29, s28;
	v10 =	vld.idx.msk [tilespmem:v0+s21+$0x430 ss:$0x1], $0xffff;
	[tilespmem:s23+$0x28A0 ss:$0x41] =	vst.msk $0xffff, v2  }
0x5e: {  	v11 =	vld [tilespmem:s28+$0x400];
	[tilespmem:s23+$0x2CB0 ss:$0x41] =	vst.msk $0xffff, v3  }
0x5f: {  	v12 =	vld [tilespmem:s28+$0x0];
	[tilespmem:s23+$0x30C0 ss:$0x41] =	vst.msk $0xffff, v4  }
0x60: {  	v4 =	vld [tilespmem:s28+$0x10];
	[tilespmem:s23+$0x34D0 ss:$0x41] =	vst.msk $0xffff, v5  }
0x61: {  	s29 =	sshra.s32 s24, $0x2;
	s24 =	smov.u32 s27;
	v1 =	vmov v9;
	v5 =	vld [tilespmem:s28+$0x20];
	[tilespmem:s23+$0x38E0 ss:$0x41] =	vst.msk $0xffff, v6  }
0x62: {  	v2 =	vmov v7;
	v6 =	vld [tilespmem:s28+$0x30];
	[tilespmem:s23+$0x3CF0 ss:$0x41] =	vst.msk $0xffff, v8;
	s23 =	sadd.s32 s29, s22  }
0x63: {  	v3 =	vmov v10;
	v9 =	vld [tilespmem:s28+$0x40];
	[tilespmem:s23+$0x2080 ss:$0x41] =	vst.msk $0xffff, v11  }
0x64: {  	[tilespmem:s23+$0x0 ss:$0x41] =	vst.msk $0xffff, v12;
	v10 =	vld [tilespmem:s28+$0x50]  }
.Ltmp3:
0x65: {  	[tilespmem:s23+$0x410 ss:$0x41] =	vst.msk $0xffff, v4;
	v8 =	vld [tilespmem:s28+$0x60];
	(pc) =	sbr.rel @p1 .LBB1_3-.Ltmp3, $4  }
0x66: {  	[tilespmem:s23+$0x820 ss:$0x41] =	vst.msk $0xffff, v5;
	v7 =	vld [tilespmem:s28+$0x70]  }
0x67: {  	[tilespmem:s23+$0xC30 ss:$0x41] =	vst.msk $0xffff, v6;
	v4 =	vld.idx.msk [tilespmem:v0+s21+$0x440 ss:$0x1], $0xffff  }
0x68: {  	s25 =	sadd.s32 $0x80, s25;
	s26 =	sadd.s32 $0x100, s26;
	[tilespmem:s23+$0x1040 ss:$0x41] =	vst.msk $0xffff, v9;
	v5 =	vld.idx.msk [tilespmem:v0+s21+$0x450 ss:$0x1], $0xffff  }
0x69: {  	s27 =	sadd.s32 $0x4, s27;
	s29 =	sand.u32 $0x380, s25;
	s28 =	sand.u32 $0x3800, s26;
	[tilespmem:s23+$0x1450 ss:$0x41] =	vst.msk $0xffff, v10;
	v6 =	vld.idx.msk [tilespmem:v0+s21+$0x460 ss:$0x1], $0xffff  }
.Ltmp4:
0x6a: {  	_ = 	snop;
	(pc) =	sbr.rel .LBB1_4-.Ltmp4, $1  }
0x6b: {  	_ =	sdelay $0x3  }
.LBB1_6:
0x6c: {  	_ =	sfence.sel $0x180000  }
0x6d: {  	s2 =	simm.s32 $0x1;
	[bflag:$0x0] =	sbarrier.arrive $0xFFFF  }
0x6e: {  	s31 =	simm.s32 $0x2;
	[sflag:s2] =	ssyncpa.u1 $0x1  }
0x6f: {  	[sflag:s31] =	ssyncpa.u1 $0x1  }
0x70: {  	p0 =	sne.s32 s0, $0x0;
	_ =	strace $0x90000047  }
0x71: {  	s0 =	sadd.s32 @!p0 $0x100000, s1;
	[bflag:$0x2] =	sbarrier.arrive $0xFFFF  }
0x72: {  	[sflag:s0] =	ssyncadd.tile.s32 @!p0 $0x1;
	_ =	shalt  }
.Lfunc_end1:
_tile_overlayer_lowered:
.L_overlay_start_2:
0x73: {  	(tag) =	ssettag $0x2  }
0x74: {  	s0 =	rddreg [dreg:$0x0];
	s2 =	stileid.u32  }
0x75: {  	s1 =	rddreg [dreg:$0x1];
	p0 =	sne.s32 s2, $0x0  }
0x76: {  	s3 =	rddreg [dreg:$0x2];
	[bflag:$0x3] =	sbarrier.arrive $0xFFFF;
	s2 =	simm.s32 @!p0 $0x1C01  }
0x77: {  	[timem:s3], [sflag:s2] =	dma.local @!p0 [hbm:s0], s1  }
0x78: {  	s0 =	simm.s32 @!p0 $0x1  }
0x79: {  	_ =	swait.ge @!p0 [sflag:s0], s1  }
0x7a: {  	s1 =	ssub.s32 @!p0 $0x0, s1;
	[sflag:s0] =	ssyncset.done @!p0 $0x0  }
0x7b: {  	[sflag:s0] =	ssyncadd.s32 @!p0 s1  }
0x7c: {  	[bflag:$0x3] =	sbarrier.arrive $0xFFFF  }
0x7d: {  	_ =	shalt  }

</sc_bundles>
